<compile_context>
chip_gen: v7x
topology: tpu7x:2x2x1
jax: 0.10.2.dev20260603
libtpu: 0.0.44.dev20260713+nightly
codegen_flags: <defaults>
</compile_context>

<pallas_src>
import functools
import jax
import jax.numpy as jnp
from jax import lax
from jax.experimental import pallas as pl
from jax.experimental.pallas import tpu as pltpu
from jax.experimental.pallas import tpu_sc as plsc

D = 64
NC, NS = 2, 16
NW = NC * NS
CHUNK = 128
GRP = 2
NBUF = 2 * GRP


@functools.lru_cache(maxsize=None)
def _build(S, R):
    B = S * R
    assert B % (NW * CHUNK) == 0 and R % CHUNK == 0
    b_per_w = B // NW
    n_chunks = b_per_w // CHUNK
    n_grp = n_chunks // GRP
    assert n_chunks % (2 * GRP) == 0
    RT = R // CHUNK

    mesh = plsc.VectorSubcoreMesh(core_axis_name="c", subcore_axis_name="s")

    scratch = [pltpu.VMEM((n_chunks, CHUNK), jnp.int32)]
    scratch += [pltpu.VMEM((CHUNK, D), jnp.float32) for _ in range(NBUF)]
    scratch += [pltpu.VMEM((D // 8, 8, CHUNK + 1), jnp.float32)
                for _ in range(NBUF)]
    scratch += [pltpu.SemaphoreType.DMA, pltpu.SemaphoreType.DMA]

    @functools.partial(
        pl.kernel,
        mesh=mesh,
        compiler_params=pltpu.CompilerParams(
            use_tc_tiling_on_sc=False, needs_layout_passes=False
        ),
        out_type=jax.ShapeDtypeStruct((S, D // 8, RT, 8, CHUNK), jnp.float32),
        scratch_types=scratch,
    )
    def k(idx_hbm, table_hbm, out_hbm, idx_v, *bufs):
        rows_bufs = bufs[:NBUF]
        trans_bufs = bufs[NBUF:2 * NBUF]
        gsem, wsem = bufs[2 * NBUF], bufs[2 * NBUF + 1]

        wid = lax.axis_index("s") * NC + lax.axis_index("c")
        cbase = wid * n_chunks
        pltpu.sync_copy(idx_hbm.at[wid], idx_v)

        iota16 = lax.iota(jnp.int32, 16)
        td_vecs, di_vecs = [], []
        for dg in range(D // 16):
            dvec = iota16 + dg * 16
            td_vecs.append(lax.shift_right_logical(dvec, 3))
            di_vecs.append(lax.bitwise_and(dvec, 7))

        zero16 = iota16 * 0

        def transpose_chunk(buf):
            rows = rows_bufs[buf]
            trans = trans_bufs[buf]

            @plsc.parallel_loop(0, CHUNK, unroll=8)
            def _(r):
                rsplat = zero16 + r
                for dg in range(D // 16):
                    vec = rows[r, pl.ds(dg * 16, 16)]
                    plsc.store_scatter(
                        trans, [td_vecs[dg], di_vecs[dg], rsplat], vec
                    )

        def gather_group(q, bufset):
            for j in range(GRP):
                pltpu.async_copy(
                    table_hbm.at[idx_v.at[q * GRP + j]],
                    rows_bufs[bufset * GRP + j],
                    gsem,
                )

        def body(q, bufset):
            @pl.when(q >= 2)
            def _():
                for j in range(GRP):
                    pltpu.make_async_copy(
                        trans_bufs[j].at[:, :, pl.ds(0, CHUNK)], out_hbm.at[0, :, 0], wsem
                    ).wait()
            for j in range(GRP):
                pltpu.make_async_copy(
                    table_hbm.at[pl.ds(0, CHUNK)], rows_bufs[0], gsem
                ).wait()
            @pl.when(q + 1 < n_grp)
            def _():
                gather_group(q + 1, 1 - bufset)
            for j in range(GRP):
                buf = bufset * GRP + j
                transpose_chunk(buf)
                c = cbase + q * GRP + j
                s = c // RT
                tr = lax.rem(c, RT)
                pltpu.async_copy(
                    trans_bufs[buf].at[:, :, pl.ds(0, CHUNK)], out_hbm.at[s, :, tr], wsem
                )

        def outer(p, carry):
            for grp in range(2):
                body(p * 2 + grp, grp)
            return carry

        gather_group(0, 0)
        lax.fori_loop(0, n_grp // 2, outer, 0, unroll=False)
        for j in range(2 * GRP):
            pltpu.make_async_copy(
                trans_bufs[j % GRP].at[:, :, pl.ds(0, CHUNK)], out_hbm.at[0, :, 0], wsem
            ).wait()

    return k


def kernel(x, table):
    R, S = x.shape
    xt = x.T.astype(jnp.int32)
    idx3 = xt.reshape(NW, (S * R) // (NW * CHUNK), CHUNK)
    out5 = _build(S, R)(idx3, table)
    return out5.transpose(2, 4, 0, 1, 3).reshape(R, S, D)

# --- scband reference (transcript-rebuilt; emitter-appended) ---
"""Pipeline reference for scband-embeddings-17102559773307 (READ-ONLY COPY).

The authoritative reference and input builder live on the scoring server;
editing this copy changes nothing except your own understanding.
"""

import jax, jax.numpy as jnp
import numpy as np

VOCAB = 1000000
EMBED_DIM = 64
PADDING_IDX = 1
SCALE = False

def setup_inputs(seed: int = 0) -> dict:
    key = jax.random.key(seed)
    k_idx, k_tab = jax.random.split(key)
    x = jax.random.randint(k_idx, (16384, 50), 0, VOCAB, dtype=jnp.int64 if jax.config.jax_enable_x64 else jnp.int32)
    table = jax.random.normal(k_tab, (VOCAB, EMBED_DIM), dtype=jnp.float32)
    # nn.Embedding with padding_idx zeroes that row at init
    table = table.at[PADDING_IDX].set(0.0)
    return {"x": x, "table": table}

def reference(x, table):
    # Faithful translation of Embeddings.forward: lookup (+ optional scaling)
    emb = jnp.take(table, x, axis=0)
    if SCALE:
        emb = emb * jnp.sqrt(jnp.float32(EMBED_DIM))
    return emb

if __name__ == "__main__":
    import jax
    _d = setup_inputs()
    print(jax.jit(kernel)(*tuple(_d.values())))

</pallas_src>

<mosaic_0001>
#map = affine_map<(d0, d1) -> (0, 0, 0)>
#map1 = affine_map<(d0, d1) -> (0, 0)>
#map2 = affine_map<(d0, d1) -> (0, 0, 0, 0, 0)>
module attributes {stable_mosaic.version = 14 : i64} {
  func.func @k(%arg0: i32, %arg1: i32, %arg2: memref<32x200x128xi32, #tpu.memory_space<hbm>>, %arg3: memref<1000000x64xf32, #tpu.memory_space<hbm>>, %arg4: memref<50x8x128x8x128xf32, #tpu.memory_space<hbm>>, %arg5: memref<200x128xi32, #tpu.memory_space<vmem>>, %arg6: memref<128x64xf32, #tpu.memory_space<vmem>>, %arg7: memref<128x64xf32, #tpu.memory_space<vmem>>, %arg8: memref<128x64xf32, #tpu.memory_space<vmem>>, %arg9: memref<128x64xf32, #tpu.memory_space<vmem>>, %arg10: memref<8x8x129xf32, #tpu.memory_space<vmem>>, %arg11: memref<8x8x129xf32, #tpu.memory_space<vmem>>, %arg12: memref<8x8x129xf32, #tpu.memory_space<vmem>>, %arg13: memref<8x8x129xf32, #tpu.memory_space<vmem>>, %arg14: memref<!tpu.dma_semaphore, #tpu.memory_space<semaphore_mem>>, %arg15: memref<!tpu.dma_semaphore, #tpu.memory_space<semaphore_mem>>) attributes {dimension_semantics = [#tpu.dimension_semantics<core_parallel>, #tpu.dimension_semantics<subcore_parallel>], iteration_bounds = array<i64: 2, 16>, scalar_prefetch = 0 : i64, scratch_operands = 11 : i64, tpu.core_type = #tpu.core_type<sc_vector_subcore>, window_params = [{transform_indices = #map}, {transform_indices = #map1}, {transform_indices = #map2}]} {
    %mul3A = arith.constant 2 : i32
    %mul3A_0 = arith.muli %arg1, %mul3A : i32
    %add3A = arith.addi %mul3A_0, %arg0 : i32
    %mul3A_1 = arith.constant 200 : i32
    %mul3A_2 = arith.muli %add3A, %mul3A_1 : i32
    "tpu.region"() ({
      %run_scoped3A = tpu.sem_alloc : memref<!tpu.dma_semaphore, #tpu.memory_space<semaphore_mem>>
      %dma_start3A_137 = arith.constant 0 : i32
      %dma_start3A_138 = arith.constant 0 : i32
      %dma_start3A_139 = tpu.memref_slice %arg2[%add3A, %dma_start3A_137, %dma_start3A_138] : memref<32x200x128xi32, #tpu.memory_space<hbm>> -> memref<1x200x128xi32, #tpu.memory_space<hbm>>
      %dma_start3A_140 = tpu.memref_squeeze %dma_start3A_139 : memref<1x200x128xi32, #tpu.memory_space<hbm>> -> memref<200x128xi32, #tpu.memory_space<hbm>>
      %dma_start3A_141 = arith.constant 0 : i32
      %dma_start3A_142 = arith.constant 0 : i32
      %dma_start3A_143 = tpu.memref_slice %arg2[%add3A, %dma_start3A_141, %dma_start3A_142] : memref<32x200x128xi32, #tpu.memory_space<hbm>> -> memref<1x200x128xi32, #tpu.memory_space<hbm>>
      %dma_start3A_144 = tpu.memref_squeeze %dma_start3A_143 : memref<1x200x128xi32, #tpu.memory_space<hbm>> -> memref<200x128xi32, #tpu.memory_space<hbm>>
      tpu.enqueue_dma source(%dma_start3A_144 : memref<200x128xi32, #tpu.memory_space<hbm>>) target(%arg5 : memref<200x128xi32, #tpu.memory_space<vmem>>) target_semaphore(%run_scoped3A : memref<!tpu.dma_semaphore, #tpu.memory_space<semaphore_mem>>)
      %dma_wait3A_145 = arith.constant 0 : i32
      %dma_wait3A_146 = arith.constant 0 : i32
      %dma_wait3A_147 = tpu.memref_slice %arg2[%add3A, %dma_wait3A_145, %dma_wait3A_146] : memref<32x200x128xi32, #tpu.memory_space<hbm>> -> memref<1x200x128xi32, #tpu.memory_space<hbm>>
      %dma_wait3A_148 = tpu.memref_squeeze %dma_wait3A_147 : memref<1x200x128xi32, #tpu.memory_space<hbm>> -> memref<200x128xi32, #tpu.memory_space<hbm>>
      %dma_wait3A_149 = arith.constant 0 : i32
      %dma_wait3A_150 = arith.constant 0 : i32
      %dma_wait3A_151 = tpu.memref_slice %arg2[%add3A, %dma_wait3A_149, %dma_wait3A_150] : memref<32x200x128xi32, #tpu.memory_space<hbm>> -> memref<1x200x128xi32, #tpu.memory_space<hbm>>
      %dma_wait3A_152 = tpu.memref_squeeze %dma_wait3A_151 : memref<1x200x128xi32, #tpu.memory_space<hbm>> -> memref<200x128xi32, #tpu.memory_space<hbm>>
      tpu.wait_dma2 semaphore(%run_scoped3A : memref<!tpu.dma_semaphore, #tpu.memory_space<semaphore_mem>>) src(%dma_wait3A_152 : memref<200x128xi32, #tpu.memory_space<hbm>>) dst(%arg5 : memref<200x128xi32, #tpu.memory_space<vmem>>)
      tpu.yield
    }) : () -> ()
    %iota3A = tpu.iota {dimensions = array<i32: 0>} : vector<16xi32>
    %add3A_3 = arith.constant 0 : i32
    %add3A_4 = vector.broadcast %add3A_3 : i32 to vector<16xi32>
    %add3A_5 = arith.addi %iota3A, %add3A_4 : vector<16xi32>
    %shift_right_logical3A = arith.constant 3 : i32
    %shift_right_logical3A_6 = vector.broadcast %shift_right_logical3A : i32 to vector<16xi32>
    %shift_right_logical3A_7 = arith.shrui %add3A_5, %shift_right_logical3A_6 : vector<16xi32>
    %and3A = arith.constant 7 : i32
    %and3A_8 = vector.broadcast %and3A : i32 to vector<16xi32>
    %and3A_9 = arith.andi %add3A_5, %and3A_8 : vector<16xi32>
    %add3A_10 = arith.constant 16 : i32
    %add3A_11 = vector.broadcast %add3A_10 : i32 to vector<16xi32>
    %add3A_12 = arith.addi %iota3A, %add3A_11 : vector<16xi32>
    %shift_right_logical3A_13 = arith.constant 3 : i32
    %shift_right_logical3A_14 = vector.broadcast %shift_right_logical3A_13 : i32 to vector<16xi32>
    %shift_right_logical3A_15 = arith.shrui %add3A_12, %shift_right_logical3A_14 : vector<16xi32>
    %and3A_16 = arith.constant 7 : i32
    %and3A_17 = vector.broadcast %and3A_16 : i32 to vector<16xi32>
    %and3A_18 = arith.andi %add3A_12, %and3A_17 : vector<16xi32>
    %add3A_19 = arith.constant 32 : i32
    %add3A_20 = vector.broadcast %add3A_19 : i32 to vector<16xi32>
    %add3A_21 = arith.addi %iota3A, %add3A_20 : vector<16xi32>
    %shift_right_logical3A_22 = arith.constant 3 : i32
    %shift_right_logical3A_23 = vector.broadcast %shift_right_logical3A_22 : i32 to vector<16xi32>
    %shift_right_logical3A_24 = arith.shrui %add3A_21, %shift_right_logical3A_23 : vector<16xi32>
    %and3A_25 = arith.constant 7 : i32
    %and3A_26 = vector.broadcast %and3A_25 : i32 to vector<16xi32>
    %and3A_27 = arith.andi %add3A_21, %and3A_26 : vector<16xi32>
    %add3A_28 = arith.constant 48 : i32
    %add3A_29 = vector.broadcast %add3A_28 : i32 to vector<16xi32>
    %add3A_30 = arith.addi %iota3A, %add3A_29 : vector<16xi32>
    %shift_right_logical3A_31 = arith.constant 3 : i32
    %shift_right_logical3A_32 = vector.broadcast %shift_right_logical3A_31 : i32 to vector<16xi32>
    %shift_right_logical3A_33 = arith.shrui %add3A_30, %shift_right_logical3A_32 : vector<16xi32>
    %and3A_34 = arith.constant 7 : i32
    %and3A_35 = vector.broadcast %and3A_34 : i32 to vector<16xi32>
    %and3A_36 = arith.andi %add3A_30, %and3A_35 : vector<16xi32>
    %mul3A_37 = arith.constant 0 : i32
    %mul3A_38 = vector.broadcast %mul3A_37 : i32 to vector<16xi32>
    %mul3A_39 = arith.muli %iota3A, %mul3A_38 : vector<16xi32>
    %dma_start3A = arith.constant 0 : i32
    %dma_start3A_40 = arith.constant 0 : i32
    %dma_start3A_41 = tpu.memref_slice %arg5[%dma_start3A, %dma_start3A_40] : memref<200x128xi32, #tpu.memory_space<vmem>> -> memref<1x128xi32, #tpu.memory_space<vmem>>
    %dma_start3A_42 = tpu.memref_squeeze %dma_start3A_41 : memref<1x128xi32, #tpu.memory_space<vmem>> -> memref<128xi32, #tpu.memory_space<vmem>>
    %dma_start3A_43 = arith.constant 0 : i32
    %dma_start3A_44 = arith.constant 0 : i32
    %dma_start3A_45 = tpu.memref_slice %arg3[%dma_start3A_43, %dma_start3A_44] : memref<1000000x64xf32, #tpu.memory_space<hbm>> -> memref<1000000x64xf32, #tpu.memory_space<hbm>>
    tpu.enqueue_indirect_dma source(%dma_start3A_45 : memref<1000000x64xf32, #tpu.memory_space<hbm>>) target(%arg6 : memref<128x64xf32, #tpu.memory_space<vmem>>) offsets(%dma_start3A_42 : memref<128xi32, #tpu.memory_space<vmem>>) semaphore(%arg14 : memref<!tpu.dma_semaphore, #tpu.memory_space<semaphore_mem>>)
    %dma_start3A_46 = arith.constant 1 : i32
    %dma_start3A_47 = arith.constant 0 : i32
    %dma_start3A_48 = tpu.memref_slice %arg5[%dma_start3A_46, %dma_start3A_47] : memref<200x128xi32, #tpu.memory_space<vmem>> -> memref<1x128xi32, #tpu.memory_space<vmem>>
    %dma_start3A_49 = tpu.memref_squeeze %dma_start3A_48 : memref<1x128xi32, #tpu.memory_space<vmem>> -> memref<128xi32, #tpu.memory_space<vmem>>
    %dma_start3A_50 = arith.constant 0 : i32
    %dma_start3A_51 = arith.constant 0 : i32
    %dma_start3A_52 = tpu.memref_slice %arg3[%dma_start3A_50, %dma_start3A_51] : memref<1000000x64xf32, #tpu.memory_space<hbm>> -> memref<1000000x64xf32, #tpu.memory_space<hbm>>
    tpu.enqueue_indirect_dma source(%dma_start3A_52 : memref<1000000x64xf32, #tpu.memory_space<hbm>>) target(%arg7 : memref<128x64xf32, #tpu.memory_space<vmem>>) offsets(%dma_start3A_49 : memref<128xi32, #tpu.memory_space<vmem>>) semaphore(%arg14 : memref<!tpu.dma_semaphore, #tpu.memory_space<semaphore_mem>>)
    %scan3A = arith.constant 0 : i32
    %scan3A_53 = arith.constant 0 : i32
    %scan3A_54 = arith.constant 50 : i32
    %scan3A_55 = arith.addi %scan3A_53, %scan3A_54 : i32
    %scan3A_56 = arith.constant 1 : i32
    scf.for %scan3A_137 = %scan3A_53 to %scan3A_55 step %scan3A_56  : i32 {
      %mul3A_138 = arith.constant 2 : i32
      %mul3A_139 = arith.muli %scan3A_137, %mul3A_138 : i32
      %add3A_140 = arith.constant 0 : i32
      %add3A_141 = arith.addi %mul3A_139, %add3A_140 : i32
      %ge3A = arith.constant 2 : i32
      %ge3A_142 = arith.cmpi sge, %add3A_141, %ge3A : i32
      %convert_element_type3A = arith.extui %ge3A_142 : i1 to i32
      %cond3A = arith.constant 0 : i32
      %cond3A_143 = arith.cmpi ne, %convert_element_type3A, %cond3A : i32
      scf.if %cond3A_143 {
        %dma_wait3A_390 = arith.constant 0 : i32
        %dma_wait3A_391 = arith.constant 0 : i32
        %dma_wait3A_392 = arith.constant 0 : i32
        %dma_wait3A_393 = arith.constant 0 : i32
        %dma_wait3A_394 = arith.constant 0 : i32
        %dma_wait3A_395 = tpu.memref_slice %arg10[%dma_wait3A_392, %dma_wait3A_393, %dma_wait3A_394] : memref<8x8x129xf32, #tpu.memory_space<vmem>> -> memref<8x8x128xf32, #tpu.memory_space<vmem>>
        %dma_wait3A_396 = arith.constant 0 : i32
        %dma_wait3A_397 = arith.constant 0 : i32
        %dma_wait3A_398 = arith.constant 0 : i32
        %dma_wait3A_399 = tpu.memref_slice %arg4[%dma_wait3A_390, %dma_wait3A_396, %dma_wait3A_391, %dma_wait3A_397, %dma_wait3A_398] : memref<50x8x128x8x128xf32, #tpu.memory_space<hbm>> -> memref<1x8x1x8x128xf32, #tpu.memory_space<hbm>>
        %dma_wait3A_400 = tpu.memref_squeeze %dma_wait3A_399 : memref<1x8x1x8x128xf32, #tpu.memory_space<hbm>> -> memref<8x8x128xf32, #tpu.memory_space<hbm>>
        %dma_wait3A_401 = arith.constant 0 : i32
        %dma_wait3A_402 = arith.constant 0 : i32
        %dma_wait3A_403 = arith.constant 0 : i32
        %dma_wait3A_404 = tpu.memref_slice %arg4[%dma_wait3A_390, %dma_wait3A_401, %dma_wait3A_391, %dma_wait3A_402, %dma_wait3A_403] : memref<50x8x128x8x128xf32, #tpu.memory_space<hbm>> -> memref<1x8x1x8x128xf32, #tpu.memory_space<hbm>>
        %dma_wait3A_405 = tpu.memref_squeeze %dma_wait3A_404 : memref<1x8x1x8x128xf32, #tpu.memory_space<hbm>> -> memref<8x8x128xf32, #tpu.memory_space<hbm>>
        %dma_wait3A_406 = arith.constant 0 : i32
        %dma_wait3A_407 = arith.constant 0 : i32
        %dma_wait3A_408 = arith.constant 0 : i32
        %dma_wait3A_409 = tpu.memref_slice %arg10[%dma_wait3A_406, %dma_wait3A_407, %dma_wait3A_408] : memref<8x8x129xf32, #tpu.memory_space<vmem>> -> memref<8x8x128xf32, #tpu.memory_space<vmem>>
        tpu.wait_dma2 semaphore(%arg15 : memref<!tpu.dma_semaphore, #tpu.memory_space<semaphore_mem>>) src(%dma_wait3A_409 : memref<8x8x128xf32, #tpu.memory_space<vmem>>) dst(%dma_wait3A_405 : memref<8x8x128xf32, #tpu.memory_space<hbm>>)
        %dma_wait3A_410 = arith.constant 0 : i32
        %dma_wait3A_411 = arith.constant 0 : i32
        %dma_wait3A_412 = arith.constant 0 : i32
        %dma_wait3A_413 = arith.constant 0 : i32
        %dma_wait3A_414 = arith.constant 0 : i32
        %dma_wait3A_415 = tpu.memref_slice %arg11[%dma_wait3A_412, %dma_wait3A_413, %dma_wait3A_414] : memref<8x8x129xf32, #tpu.memory_space<vmem>> -> memref<8x8x128xf32, #tpu.memory_space<vmem>>
        %dma_wait3A_416 = arith.constant 0 : i32
        %dma_wait3A_417 = arith.constant 0 : i32
        %dma_wait3A_418 = arith.constant 0 : i32
        %dma_wait3A_419 = tpu.memref_slice %arg4[%dma_wait3A_410, %dma_wait3A_416, %dma_wait3A_411, %dma_wait3A_417, %dma_wait3A_418] : memref<50x8x128x8x128xf32, #tpu.memory_space<hbm>> -> memref<1x8x1x8x128xf32, #tpu.memory_space<hbm>>
        %dma_wait3A_420 = tpu.memref_squeeze %dma_wait3A_419 : memref<1x8x1x8x128xf32, #tpu.memory_space<hbm>> -> memref<8x8x128xf32, #tpu.memory_space<hbm>>
        %dma_wait3A_421 = arith.constant 0 : i32
        %dma_wait3A_422 = arith.constant 0 : i32
        %dma_wait3A_423 = arith.constant 0 : i32
        %dma_wait3A_424 = tpu.memref_slice %arg4[%dma_wait3A_410, %dma_wait3A_421, %dma_wait3A_411, %dma_wait3A_422, %dma_wait3A_423] : memref<50x8x128x8x128xf32, #tpu.memory_space<hbm>> -> memref<1x8x1x8x128xf32, #tpu.memory_space<hbm>>
        %dma_wait3A_425 = tpu.memref_squeeze %dma_wait3A_424 : memref<1x8x1x8x128xf32, #tpu.memory_space<hbm>> -> memref<8x8x128xf32, #tpu.memory_space<hbm>>
        %dma_wait3A_426 = arith.constant 0 : i32
        %dma_wait3A_427 = arith.constant 0 : i32
        %dma_wait3A_428 = arith.constant 0 : i32
        %dma_wait3A_429 = tpu.memref_slice %arg11[%dma_wait3A_426, %dma_wait3A_427, %dma_wait3A_428] : memref<8x8x129xf32, #tpu.memory_space<vmem>> -> memref<8x8x128xf32, #tpu.memory_space<vmem>>
        tpu.wait_dma2 semaphore(%arg15 : memref<!tpu.dma_semaphore, #tpu.memory_space<semaphore_mem>>) src(%dma_wait3A_429 : memref<8x8x128xf32, #tpu.memory_space<vmem>>) dst(%dma_wait3A_425 : memref<8x8x128xf32, #tpu.memory_space<hbm>>)
      } else {
      }
      %dma_wait3A_144 = arith.constant 0 : i32
      %dma_wait3A_145 = arith.constant 0 : i32
      %dma_wait3A_146 = tpu.memref_slice %arg3[%dma_wait3A_144, %dma_wait3A_145] : memref<1000000x64xf32, #tpu.memory_space<hbm>> -> memref<128x64xf32, #tpu.memory_space<hbm>>
      %dma_wait3A_147 = arith.constant 0 : i32
      %dma_wait3A_148 = arith.constant 0 : i32
      %dma_wait3A_149 = tpu.memref_slice %arg3[%dma_wait3A_147, %dma_wait3A_148] : memref<1000000x64xf32, #tpu.memory_space<hbm>> -> memref<128x64xf32, #tpu.memory_space<hbm>>
      tpu.wait_dma2 semaphore(%arg14 : memref<!tpu.dma_semaphore, #tpu.memory_space<semaphore_mem>>) src(%dma_wait3A_149 : memref<128x64xf32, #tpu.memory_space<hbm>>) dst(%arg6 : memref<128x64xf32, #tpu.memory_space<vmem>>)
      %dma_wait3A_150 = arith.constant 0 : i32
      %dma_wait3A_151 = arith.constant 0 : i32
      %dma_wait3A_152 = tpu.memref_slice %arg3[%dma_wait3A_150, %dma_wait3A_151] : memref<1000000x64xf32, #tpu.memory_space<hbm>> -> memref<128x64xf32, #tpu.memory_space<hbm>>
      %dma_wait3A_153 = arith.constant 0 : i32
      %dma_wait3A_154 = arith.constant 0 : i32
      %dma_wait3A_155 = tpu.memref_slice %arg3[%dma_wait3A_153, %dma_wait3A_154] : memref<1000000x64xf32, #tpu.memory_space<hbm>> -> memref<128x64xf32, #tpu.memory_space<hbm>>
      tpu.wait_dma2 semaphore(%arg14 : memref<!tpu.dma_semaphore, #tpu.memory_space<semaphore_mem>>) src(%dma_wait3A_155 : memref<128x64xf32, #tpu.memory_space<hbm>>) dst(%arg6 : memref<128x64xf32, #tpu.memory_space<vmem>>)
      %add3A_156 = arith.constant 1 : i32
      %add3A_157 = arith.addi %add3A_141, %add3A_156 : i32
      %lt3A = arith.constant 100 : i32
      %lt3A_158 = arith.cmpi slt, %add3A_157, %lt3A : i32
      %convert_element_type3A_159 = arith.extui %lt3A_158 : i1 to i32
      %cond3A_160 = arith.constant 0 : i32
      %cond3A_161 = arith.cmpi ne, %convert_element_type3A_159, %cond3A_160 : i32
      scf.if %cond3A_161 {
        %add3A_390 = arith.constant 1 : i32
        %add3A_391 = arith.addi %add3A_141, %add3A_390 : i32
        %mul3A_392 = arith.constant 2 : i32
        %mul3A_393 = arith.muli %add3A_391, %mul3A_392 : i32
        %add3A_394 = arith.constant 0 : i32
        %add3A_395 = arith.addi %mul3A_393, %add3A_394 : i32
        %dma_start3A_396 = arith.constant 0 : i32
        %dma_start3A_397 = tpu.memref_slice %arg5[%add3A_395, %dma_start3A_396] : memref<200x128xi32, #tpu.memory_space<vmem>> -> memref<1x128xi32, #tpu.memory_space<vmem>>
        %dma_start3A_398 = tpu.memref_squeeze %dma_start3A_397 : memref<1x128xi32, #tpu.memory_space<vmem>> -> memref<128xi32, #tpu.memory_space<vmem>>
        %dma_start3A_399 = arith.constant 0 : i32
        %dma_start3A_400 = arith.constant 0 : i32
        %dma_start3A_401 = tpu.memref_slice %arg3[%dma_start3A_399, %dma_start3A_400] : memref<1000000x64xf32, #tpu.memory_space<hbm>> -> memref<1000000x64xf32, #tpu.memory_space<hbm>>
        tpu.enqueue_indirect_dma source(%dma_start3A_401 : memref<1000000x64xf32, #tpu.memory_space<hbm>>) target(%arg8 : memref<128x64xf32, #tpu.memory_space<vmem>>) offsets(%dma_start3A_398 : memref<128xi32, #tpu.memory_space<vmem>>) semaphore(%arg14 : memref<!tpu.dma_semaphore, #tpu.memory_space<semaphore_mem>>)
        %mul3A_402 = arith.constant 2 : i32
        %mul3A_403 = arith.muli %add3A_391, %mul3A_402 : i32
        %add3A_404 = arith.constant 1 : i32
        %add3A_405 = arith.addi %mul3A_403, %add3A_404 : i32
        %dma_start3A_406 = arith.constant 0 : i32
        %dma_start3A_407 = tpu.memref_slice %arg5[%add3A_405, %dma_start3A_406] : memref<200x128xi32, #tpu.memory_space<vmem>> -> memref<1x128xi32, #tpu.memory_space<vmem>>
        %dma_start3A_408 = tpu.memref_squeeze %dma_start3A_407 : memref<1x128xi32, #tpu.memory_space<vmem>> -> memref<128xi32, #tpu.memory_space<vmem>>
        %dma_start3A_409 = arith.constant 0 : i32
        %dma_start3A_410 = arith.constant 0 : i32
        %dma_start3A_411 = tpu.memref_slice %arg3[%dma_start3A_409, %dma_start3A_410] : memref<1000000x64xf32, #tpu.memory_space<hbm>> -> memref<1000000x64xf32, #tpu.memory_space<hbm>>
        tpu.enqueue_indirect_dma source(%dma_start3A_411 : memref<1000000x64xf32, #tpu.memory_space<hbm>>) target(%arg9 : memref<128x64xf32, #tpu.memory_space<vmem>>) offsets(%dma_start3A_408 : memref<128xi32, #tpu.memory_space<vmem>>) semaphore(%arg14 : memref<!tpu.dma_semaphore, #tpu.memory_space<semaphore_mem>>)
      } else {
      }
      %parallel_loop3A = arith.constant 0 : i32
      %parallel_loop3A_162 = arith.constant 128 : i32
      %parallel_loop3A_163 = arith.constant 1 : i32
      scf.for %parallel_loop3A_390 = %parallel_loop3A to %parallel_loop3A_162 step %parallel_loop3A_163  : i32 {
        %parallel_loop3A_391 = vector.broadcast %parallel_loop3A_390 : i32 to vector<16xi32>
        %parallel_loop3A_392 = arith.addi %mul3A_39, %parallel_loop3A_391 : vector<16xi32>
        %parallel_loop3A_393 = arith.index_cast %parallel_loop3A_390 : i32 to index
        %parallel_loop3A_394 = arith.constant 0 : index
        %parallel_loop3A_395 = tpu.vector_load %arg6[%parallel_loop3A_393, %parallel_loop3A_394] {strides = array<i32>} : memref<128x64xf32, #tpu.memory_space<vmem>>, vector<16xf32>,
        tpu.vector_store_idx %arg10[%shift_right_logical3A_7, %and3A_9, %parallel_loop3A_392], %parallel_loop3A_395 : memref<8x8x129xf32, #tpu.memory_space<vmem>>[vector<16xi32>, vector<16xi32>, vector<16xi32>], vector<16xf32>,
        %parallel_loop3A_396 = arith.index_cast %parallel_loop3A_390 : i32 to index
        %parallel_loop3A_397 = arith.constant 16 : index
        %parallel_loop3A_398 = tpu.vector_load %arg6[%parallel_loop3A_396, %parallel_loop3A_397] {strides = array<i32>} : memref<128x64xf32, #tpu.memory_space<vmem>>, vector<16xf32>,
        tpu.vector_store_idx %arg10[%shift_right_logical3A_15, %and3A_18, %parallel_loop3A_392], %parallel_loop3A_398 : memref<8x8x129xf32, #tpu.memory_space<vmem>>[vector<16xi32>, vector<16xi32>, vector<16xi32>], vector<16xf32>,
        %parallel_loop3A_399 = arith.index_cast %parallel_loop3A_390 : i32 to index
        %parallel_loop3A_400 = arith.constant 32 : index
        %parallel_loop3A_401 = tpu.vector_load %arg6[%parallel_loop3A_399, %parallel_loop3A_400] {strides = array<i32>} : memref<128x64xf32, #tpu.memory_space<vmem>>, vector<16xf32>,
        tpu.vector_store_idx %arg10[%shift_right_logical3A_24, %and3A_27, %parallel_loop3A_392], %parallel_loop3A_401 : memref<8x8x129xf32, #tpu.memory_space<vmem>>[vector<16xi32>, vector<16xi32>, vector<16xi32>], vector<16xf32>,
        %parallel_loop3A_402 = arith.index_cast %parallel_loop3A_390 : i32 to index
        %parallel_loop3A_403 = arith.constant 48 : index
        %parallel_loop3A_404 = tpu.vector_load %arg6[%parallel_loop3A_402, %parallel_loop3A_403] {strides = array<i32>} : memref<128x64xf32, #tpu.memory_space<vmem>>, vector<16xf32>,
        tpu.vector_store_idx %arg10[%shift_right_logical3A_33, %and3A_36, %parallel_loop3A_392], %parallel_loop3A_404 : memref<8x8x129xf32, #tpu.memory_space<vmem>>[vector<16xi32>, vector<16xi32>, vector<16xi32>], vector<16xf32>,
      } {sc.loop_unroll_factor = 8 : i64, sc.parallel_access}
      %mul3A_164 = arith.constant 2 : i32
      %mul3A_165 = arith.muli %add3A_141, %mul3A_164 : i32
      %add3A_166 = arith.addi %mul3A_2, %mul3A_165 : i32
      %add3A_167 = arith.constant 0 : i32
      %add3A_168 = arith.addi %add3A_166, %add3A_167 : i32
      %jit3A = arith.constant 128 : i32
      %div3A = arith.divsi %add3A_168, %jit3A : i32
      %sign3A = arith.constant 0 : i32
      %sign3A_169 = arith.cmpi sgt, %add3A_168, %sign3A : i32
      %sign3A_170 = arith.extui %sign3A_169 : i1 to i32
      %sign3A_171 = arith.constant 0 : i32
      %sign3A_172 = arith.cmpi slt, %add3A_168, %sign3A_171 : i32
      %sign3A_173 = arith.extui %sign3A_172 : i1 to i32
      %sign3A_174 = arith.subi %sign3A_170, %sign3A_173 : i32
      %sign3A_175 = arith.constant 0 : i32
      %sign3A_176 = arith.cmpi sgt, %jit3A, %sign3A_175 : i32
      %sign3A_177 = arith.extui %sign3A_176 : i1 to i32
      %sign3A_178 = arith.constant 0 : i32
      %sign3A_179 = arith.cmpi slt, %jit3A, %sign3A_178 : i32
      %sign3A_180 = arith.extui %sign3A_179 : i1 to i32
      %sign3A_181 = arith.subi %sign3A_177, %sign3A_180 : i32
      %ne3A = arith.cmpi ne, %sign3A_174, %sign3A_181 : i32
      %rem3A = arith.remsi %add3A_168, %jit3A : i32
      %ne3A_182 = arith.constant 0 : i32
      %ne3A_183 = arith.cmpi ne, %rem3A, %ne3A_182 : i32
      %and3A_184 = arith.andi %ne3A, %ne3A_183 : i1
      %sub3A = arith.constant 1 : i32
      %sub3A_185 = arith.subi %div3A, %sub3A : i32
      %select_n3A = arith.select %and3A_184, %sub3A_185, %div3A : i32
      %rem3A_186 = arith.constant 128 : i32
      %rem3A_187 = arith.remsi %add3A_168, %rem3A_186 : i32
      %dma_start3A_188 = arith.constant 0 : i32
      %dma_start3A_189 = arith.constant 0 : i32
      %dma_start3A_190 = arith.constant 0 : i32
      %dma_start3A_191 = tpu.memref_slice %arg10[%dma_start3A_188, %dma_start3A_189, %dma_start3A_190] : memref<8x8x129xf32, #tpu.memory_space<vmem>> -> memref<8x8x128xf32, #tpu.memory_space<vmem>>
      %dma_start3A_192 = arith.constant 0 : i32
      %dma_start3A_193 = arith.constant 0 : i32
      %dma_start3A_194 = arith.constant 0 : i32
      %dma_start3A_195 = tpu.memref_slice %arg4[%select_n3A, %dma_start3A_192, %rem3A_187, %dma_start3A_193, %dma_start3A_194] : memref<50x8x128x8x128xf32, #tpu.memory_space<hbm>> -> memref<1x8x1x8x128xf32, #tpu.memory_space<hbm>>
      %dma_start3A_196 = tpu.memref_squeeze %dma_start3A_195 : memref<1x8x1x8x128xf32, #tpu.memory_space<hbm>> -> memref<8x8x128xf32, #tpu.memory_space<hbm>>
      %dma_start3A_197 = arith.constant 0 : i32
      %dma_start3A_198 = arith.constant 0 : i32
      %dma_start3A_199 = arith.constant 0 : i32
      %dma_start3A_200 = tpu.memref_slice %arg4[%select_n3A, %dma_start3A_197, %rem3A_187, %dma_start3A_198, %dma_start3A_199] : memref<50x8x128x8x128xf32, #tpu.memory_space<hbm>> -> memref<1x8x1x8x128xf32, #tpu.memory_space<hbm>>
      %dma_start3A_201 = tpu.memref_squeeze %dma_start3A_200 : memref<1x8x1x8x128xf32, #tpu.memory_space<hbm>> -> memref<8x8x128xf32, #tpu.memory_space<hbm>>
      %dma_start3A_202 = arith.constant 0 : i32
      %dma_start3A_203 = arith.constant 0 : i32
      %dma_start3A_204 = arith.constant 0 : i32
      %dma_start3A_205 = tpu.memref_slice %arg10[%dma_start3A_202, %dma_start3A_203, %dma_start3A_204] : memref<8x8x129xf32, #tpu.memory_space<vmem>> -> memref<8x8x128xf32, #tpu.memory_space<vmem>>
      tpu.enqueue_dma source(%dma_start3A_205 : memref<8x8x128xf32, #tpu.memory_space<vmem>>) target(%dma_start3A_201 : memref<8x8x128xf32, #tpu.memory_space<hbm>>) target_semaphore(%arg15 : memref<!tpu.dma_semaphore, #tpu.memory_space<semaphore_mem>>)
      %parallel_loop3A_206 = arith.constant 0 : i32
      %parallel_loop3A_207 = arith.constant 128 : i32
      %parallel_loop3A_208 = arith.constant 1 : i32
      scf.for %parallel_loop3A_390 = %parallel_loop3A_206 to %parallel_loop3A_207 step %parallel_loop3A_208  : i32 {
        %parallel_loop3A_391 = vector.broadcast %parallel_loop3A_390 : i32 to vector<16xi32>
        %parallel_loop3A_392 = arith.addi %mul3A_39, %parallel_loop3A_391 : vector<16xi32>
        %parallel_loop3A_393 = arith.index_cast %parallel_loop3A_390 : i32 to index
        %parallel_loop3A_394 = arith.constant 0 : index
        %parallel_loop3A_395 = tpu.vector_load %arg7[%parallel_loop3A_393, %parallel_loop3A_394] {strides = array<i32>} : memref<128x64xf32, #tpu.memory_space<vmem>>, vector<16xf32>,
        tpu.vector_store_idx %arg11[%shift_right_logical3A_7, %and3A_9, %parallel_loop3A_392], %parallel_loop3A_395 : memref<8x8x129xf32, #tpu.memory_space<vmem>>[vector<16xi32>, vector<16xi32>, vector<16xi32>], vector<16xf32>,
        %parallel_loop3A_396 = arith.index_cast %parallel_loop3A_390 : i32 to index
        %parallel_loop3A_397 = arith.constant 16 : index
        %parallel_loop3A_398 = tpu.vector_load %arg7[%parallel_loop3A_396, %parallel_loop3A_397] {strides = array<i32>} : memref<128x64xf32, #tpu.memory_space<vmem>>, vector<16xf32>,
        tpu.vector_store_idx %arg11[%shift_right_logical3A_15, %and3A_18, %parallel_loop3A_392], %parallel_loop3A_398 : memref<8x8x129xf32, #tpu.memory_space<vmem>>[vector<16xi32>, vector<16xi32>, vector<16xi32>], vector<16xf32>,
        %parallel_loop3A_399 = arith.index_cast %parallel_loop3A_390 : i32 to index
        %parallel_loop3A_400 = arith.constant 32 : index
        %parallel_loop3A_401 = tpu.vector_load %arg7[%parallel_loop3A_399, %parallel_loop3A_400] {strides = array<i32>} : memref<128x64xf32, #tpu.memory_space<vmem>>, vector<16xf32>,
        tpu.vector_store_idx %arg11[%shift_right_logical3A_24, %and3A_27, %parallel_loop3A_392], %parallel_loop3A_401 : memref<8x8x129xf32, #tpu.memory_space<vmem>>[vector<16xi32>, vector<16xi32>, vector<16xi32>], vector<16xf32>,
        %parallel_loop3A_402 = arith.index_cast %parallel_loop3A_390 : i32 to index
        %parallel_loop3A_403 = arith.constant 48 : index
        %parallel_loop3A_404 = tpu.vector_load %arg7[%parallel_loop3A_402, %parallel_loop3A_403] {strides = array<i32>} : memref<128x64xf32, #tpu.memory_space<vmem>>, vector<16xf32>,
        tpu.vector_store_idx %arg11[%shift_right_logical3A_33, %and3A_36, %parallel_loop3A_392], %parallel_loop3A_404 : memref<8x8x129xf32, #tpu.memory_space<vmem>>[vector<16xi32>, vector<16xi32>, vector<16xi32>], vector<16xf32>,
      } {sc.loop_unroll_factor = 8 : i64, sc.parallel_access}
      %mul3A_209 = arith.constant 2 : i32
      %mul3A_210 = arith.muli %add3A_141, %mul3A_209 : i32
      %add3A_211 = arith.addi %mul3A_2, %mul3A_210 : i32
      %add3A_212 = arith.constant 1 : i32
      %add3A_213 = arith.addi %add3A_211, %add3A_212 : i32
      %jit3A_214 = arith.constant 128 : i32
      %div3A_215 = arith.divsi %add3A_213, %jit3A_214 : i32
      %sign3A_216 = arith.constant 0 : i32
      %sign3A_217 = arith.cmpi sgt, %add3A_213, %sign3A_216 : i32
      %sign3A_218 = arith.extui %sign3A_217 : i1 to i32
      %sign3A_219 = arith.constant 0 : i32
      %sign3A_220 = arith.cmpi slt, %add3A_213, %sign3A_219 : i32
      %sign3A_221 = arith.extui %sign3A_220 : i1 to i32
      %sign3A_222 = arith.subi %sign3A_218, %sign3A_221 : i32
      %sign3A_223 = arith.constant 0 : i32
      %sign3A_224 = arith.cmpi sgt, %jit3A_214, %sign3A_223 : i32
      %sign3A_225 = arith.extui %sign3A_224 : i1 to i32
      %sign3A_226 = arith.constant 0 : i32
      %sign3A_227 = arith.cmpi slt, %jit3A_214, %sign3A_226 : i32
      %sign3A_228 = arith.extui %sign3A_227 : i1 to i32
      %sign3A_229 = arith.subi %sign3A_225, %sign3A_228 : i32
      %ne3A_230 = arith.cmpi ne, %sign3A_222, %sign3A_229 : i32
      %rem3A_231 = arith.remsi %add3A_213, %jit3A_214 : i32
      %ne3A_232 = arith.constant 0 : i32
      %ne3A_233 = arith.cmpi ne, %rem3A_231, %ne3A_232 : i32
      %and3A_234 = arith.andi %ne3A_230, %ne3A_233 : i1
      %sub3A_235 = arith.constant 1 : i32
      %sub3A_236 = arith.subi %div3A_215, %sub3A_235 : i32
      %select_n3A_237 = arith.select %and3A_234, %sub3A_236, %div3A_215 : i32
      %rem3A_238 = arith.constant 128 : i32
      %rem3A_239 = arith.remsi %add3A_213, %rem3A_238 : i32
      %dma_start3A_240 = arith.constant 0 : i32
      %dma_start3A_241 = arith.constant 0 : i32
      %dma_start3A_242 = arith.constant 0 : i32
      %dma_start3A_243 = tpu.memref_slice %arg11[%dma_start3A_240, %dma_start3A_241, %dma_start3A_242] : memref<8x8x129xf32, #tpu.memory_space<vmem>> -> memref<8x8x128xf32, #tpu.memory_space<vmem>>
      %dma_start3A_244 = arith.constant 0 : i32
      %dma_start3A_245 = arith.constant 0 : i32
      %dma_start3A_246 = arith.constant 0 : i32
      %dma_start3A_247 = tpu.memref_slice %arg4[%select_n3A_237, %dma_start3A_244, %rem3A_239, %dma_start3A_245, %dma_start3A_246] : memref<50x8x128x8x128xf32, #tpu.memory_space<hbm>> -> memref<1x8x1x8x128xf32, #tpu.memory_space<hbm>>
      %dma_start3A_248 = tpu.memref_squeeze %dma_start3A_247 : memref<1x8x1x8x128xf32, #tpu.memory_space<hbm>> -> memref<8x8x128xf32, #tpu.memory_space<hbm>>
      %dma_start3A_249 = arith.constant 0 : i32
      %dma_start3A_250 = arith.constant 0 : i32
      %dma_start3A_251 = arith.constant 0 : i32
      %dma_start3A_252 = tpu.memref_slice %arg4[%select_n3A_237, %dma_start3A_249, %rem3A_239, %dma_start3A_250, %dma_start3A_251] : memref<50x8x128x8x128xf32, #tpu.memory_space<hbm>> -> memref<1x8x1x8x128xf32, #tpu.memory_space<hbm>>
      %dma_start3A_253 = tpu.memref_squeeze %dma_start3A_252 : memref<1x8x1x8x128xf32, #tpu.memory_space<hbm>> -> memref<8x8x128xf32, #tpu.memory_space<hbm>>
      %dma_start3A_254 = arith.constant 0 : i32
      %dma_start3A_255 = arith.constant 0 : i32
      %dma_start3A_256 = arith.constant 0 : i32
      %dma_start3A_257 = tpu.memref_slice %arg11[%dma_start3A_254, %dma_start3A_255, %dma_start3A_256] : memref<8x8x129xf32, #tpu.memory_space<vmem>> -> memref<8x8x128xf32, #tpu.memory_space<vmem>>
      tpu.enqueue_dma source(%dma_start3A_257 : memref<8x8x128xf32, #tpu.memory_space<vmem>>) target(%dma_start3A_253 : memref<8x8x128xf32, #tpu.memory_space<hbm>>) target_semaphore(%arg15 : memref<!tpu.dma_semaphore, #tpu.memory_space<semaphore_mem>>)
      %mul3A_258 = arith.constant 2 : i32
      %mul3A_259 = arith.muli %scan3A_137, %mul3A_258 : i32
      %add3A_260 = arith.constant 1 : i32
      %add3A_261 = arith.addi %mul3A_259, %add3A_260 : i32
      %ge3A_262 = arith.constant 2 : i32
      %ge3A_263 = arith.cmpi sge, %add3A_261, %ge3A_262 : i32
      %convert_element_type3A_264 = arith.extui %ge3A_263 : i1 to i32
      %cond3A_265 = arith.constant 0 : i32
      %cond3A_266 = arith.cmpi ne, %convert_element_type3A_264, %cond3A_265 : i32
      scf.if %cond3A_266 {
        %dma_wait3A_390 = arith.constant 0 : i32
        %dma_wait3A_391 = arith.constant 0 : i32
        %dma_wait3A_392 = arith.constant 0 : i32
        %dma_wait3A_393 = arith.constant 0 : i32
        %dma_wait3A_394 = arith.constant 0 : i32
        %dma_wait3A_395 = tpu.memref_slice %arg10[%dma_wait3A_392, %dma_wait3A_393, %dma_wait3A_394] : memref<8x8x129xf32, #tpu.memory_space<vmem>> -> memref<8x8x128xf32, #tpu.memory_space<vmem>>
        %dma_wait3A_396 = arith.constant 0 : i32
        %dma_wait3A_397 = arith.constant 0 : i32
        %dma_wait3A_398 = arith.constant 0 : i32
        %dma_wait3A_399 = tpu.memref_slice %arg4[%dma_wait3A_390, %dma_wait3A_396, %dma_wait3A_391, %dma_wait3A_397, %dma_wait3A_398] : memref<50x8x128x8x128xf32, #tpu.memory_space<hbm>> -> memref<1x8x1x8x128xf32, #tpu.memory_space<hbm>>
        %dma_wait3A_400 = tpu.memref_squeeze %dma_wait3A_399 : memref<1x8x1x8x128xf32, #tpu.memory_space<hbm>> -> memref<8x8x128xf32, #tpu.memory_space<hbm>>
        %dma_wait3A_401 = arith.constant 0 : i32
        %dma_wait3A_402 = arith.constant 0 : i32
        %dma_wait3A_403 = arith.constant 0 : i32
        %dma_wait3A_404 = tpu.memref_slice %arg4[%dma_wait3A_390, %dma_wait3A_401, %dma_wait3A_391, %dma_wait3A_402, %dma_wait3A_403] : memref<50x8x128x8x128xf32, #tpu.memory_space<hbm>> -> memref<1x8x1x8x128xf32, #tpu.memory_space<hbm>>
        %dma_wait3A_405 = tpu.memref_squeeze %dma_wait3A_404 : memref<1x8x1x8x128xf32, #tpu.memory_space<hbm>> -> memref<8x8x128xf32, #tpu.memory_space<hbm>>
        %dma_wait3A_406 = arith.constant 0 : i32
        %dma_wait3A_407 = arith.constant 0 : i32
        %dma_wait3A_408 = arith.constant 0 : i32
        %dma_wait3A_409 = tpu.memref_slice %arg10[%dma_wait3A_406, %dma_wait3A_407, %dma_wait3A_408] : memref<8x8x129xf32, #tpu.memory_space<vmem>> -> memref<8x8x128xf32, #tpu.memory_space<vmem>>
        tpu.wait_dma2 semaphore(%arg15 : memref<!tpu.dma_semaphore, #tpu.memory_space<semaphore_mem>>) src(%dma_wait3A_409 : memref<8x8x128xf32, #tpu.memory_space<vmem>>) dst(%dma_wait3A_405 : memref<8x8x128xf32, #tpu.memory_space<hbm>>)
        %dma_wait3A_410 = arith.constant 0 : i32
        %dma_wait3A_411 = arith.constant 0 : i32
        %dma_wait3A_412 = arith.constant 0 : i32
        %dma_wait3A_413 = arith.constant 0 : i32
        %dma_wait3A_414 = arith.constant 0 : i32
        %dma_wait3A_415 = tpu.memref_slice %arg11[%dma_wait3A_412, %dma_wait3A_413, %dma_wait3A_414] : memref<8x8x129xf32, #tpu.memory_space<vmem>> -> memref<8x8x128xf32, #tpu.memory_space<vmem>>
        %dma_wait3A_416 = arith.constant 0 : i32
        %dma_wait3A_417 = arith.constant 0 : i32
        %dma_wait3A_418 = arith.constant 0 : i32
        %dma_wait3A_419 = tpu.memref_slice %arg4[%dma_wait3A_410, %dma_wait3A_416, %dma_wait3A_411, %dma_wait3A_417, %dma_wait3A_418] : memref<50x8x128x8x128xf32, #tpu.memory_space<hbm>> -> memref<1x8x1x8x128xf32, #tpu.memory_space<hbm>>
        %dma_wait3A_420 = tpu.memref_squeeze %dma_wait3A_419 : memref<1x8x1x8x128xf32, #tpu.memory_space<hbm>> -> memref<8x8x128xf32, #tpu.memory_space<hbm>>
        %dma_wait3A_421 = arith.constant 0 : i32
        %dma_wait3A_422 = arith.constant 0 : i32
        %dma_wait3A_423 = arith.constant 0 : i32
        %dma_wait3A_424 = tpu.memref_slice %arg4[%dma_wait3A_410, %dma_wait3A_421, %dma_wait3A_411, %dma_wait3A_422, %dma_wait3A_423] : memref<50x8x128x8x128xf32, #tpu.memory_space<hbm>> -> memref<1x8x1x8x128xf32, #tpu.memory_space<hbm>>
        %dma_wait3A_425 = tpu.memref_squeeze %dma_wait3A_424 : memref<1x8x1x8x128xf32, #tpu.memory_space<hbm>> -> memref<8x8x128xf32, #tpu.memory_space<hbm>>
        %dma_wait3A_426 = arith.constant 0 : i32
        %dma_wait3A_427 = arith.constant 0 : i32
        %dma_wait3A_428 = arith.constant 0 : i32
        %dma_wait3A_429 = tpu.memref_slice %arg11[%dma_wait3A_426, %dma_wait3A_427, %dma_wait3A_428] : memref<8x8x129xf32, #tpu.memory_space<vmem>> -> memref<8x8x128xf32, #tpu.memory_space<vmem>>
        tpu.wait_dma2 semaphore(%arg15 : memref<!tpu.dma_semaphore, #tpu.memory_space<semaphore_mem>>) src(%dma_wait3A_429 : memref<8x8x128xf32, #tpu.memory_space<vmem>>) dst(%dma_wait3A_425 : memref<8x8x128xf32, #tpu.memory_space<hbm>>)
      } else {
      }
      %dma_wait3A_267 = arith.constant 0 : i32
      %dma_wait3A_268 = arith.constant 0 : i32
      %dma_wait3A_269 = tpu.memref_slice %arg3[%dma_wait3A_267, %dma_wait3A_268] : memref<1000000x64xf32, #tpu.memory_space<hbm>> -> memref<128x64xf32, #tpu.memory_space<hbm>>
      %dma_wait3A_270 = arith.constant 0 : i32
      %dma_wait3A_271 = arith.constant 0 : i32
      %dma_wait3A_272 = tpu.memref_slice %arg3[%dma_wait3A_270, %dma_wait3A_271] : memref<1000000x64xf32, #tpu.memory_space<hbm>> -> memref<128x64xf32, #tpu.memory_space<hbm>>
      tpu.wait_dma2 semaphore(%arg14 : memref<!tpu.dma_semaphore, #tpu.memory_space<semaphore_mem>>) src(%dma_wait3A_272 : memref<128x64xf32, #tpu.memory_space<hbm>>) dst(%arg6 : memref<128x64xf32, #tpu.memory_space<vmem>>)
      %dma_wait3A_273 = arith.constant 0 : i32
      %dma_wait3A_274 = arith.constant 0 : i32
      %dma_wait3A_275 = tpu.memref_slice %arg3[%dma_wait3A_273, %dma_wait3A_274] : memref<1000000x64xf32, #tpu.memory_space<hbm>> -> memref<128x64xf32, #tpu.memory_space<hbm>>
      %dma_wait3A_276 = arith.constant 0 : i32
      %dma_wait3A_277 = arith.constant 0 : i32
      %dma_wait3A_278 = tpu.memref_slice %arg3[%dma_wait3A_276, %dma_wait3A_277] : memref<1000000x64xf32, #tpu.memory_space<hbm>> -> memref<128x64xf32, #tpu.memory_space<hbm>>
      tpu.wait_dma2 semaphore(%arg14 : memref<!tpu.dma_semaphore, #tpu.memory_space<semaphore_mem>>) src(%dma_wait3A_278 : memref<128x64xf32, #tpu.memory_space<hbm>>) dst(%arg6 : memref<128x64xf32, #tpu.memory_space<vmem>>)
      %add3A_279 = arith.constant 1 : i32
      %add3A_280 = arith.addi %add3A_261, %add3A_279 : i32
      %lt3A_281 = arith.constant 100 : i32
      %lt3A_282 = arith.cmpi slt, %add3A_280, %lt3A_281 : i32
      %convert_element_type3A_283 = arith.extui %lt3A_282 : i1 to i32
      %cond3A_284 = arith.constant 0 : i32
      %cond3A_285 = arith.cmpi ne, %convert_element_type3A_283, %cond3A_284 : i32
      scf.if %cond3A_285 {
        %add3A_390 = arith.constant 1 : i32
        %add3A_391 = arith.addi %add3A_261, %add3A_390 : i32
        %mul3A_392 = arith.constant 2 : i32
        %mul3A_393 = arith.muli %add3A_391, %mul3A_392 : i32
        %add3A_394 = arith.constant 0 : i32
        %add3A_395 = arith.addi %mul3A_393, %add3A_394 : i32
        %dma_start3A_396 = arith.constant 0 : i32
        %dma_start3A_397 = tpu.memref_slice %arg5[%add3A_395, %dma_start3A_396] : memref<200x128xi32, #tpu.memory_space<vmem>> -> memref<1x128xi32, #tpu.memory_space<vmem>>
        %dma_start3A_398 = tpu.memref_squeeze %dma_start3A_397 : memref<1x128xi32, #tpu.memory_space<vmem>> -> memref<128xi32, #tpu.memory_space<vmem>>
        %dma_start3A_399 = arith.constant 0 : i32
        %dma_start3A_400 = arith.constant 0 : i32
        %dma_start3A_401 = tpu.memref_slice %arg3[%dma_start3A_399, %dma_start3A_400] : memref<1000000x64xf32, #tpu.memory_space<hbm>> -> memref<1000000x64xf32, #tpu.memory_space<hbm>>
        tpu.enqueue_indirect_dma source(%dma_start3A_401 : memref<1000000x64xf32, #tpu.memory_space<hbm>>) target(%arg6 : memref<128x64xf32, #tpu.memory_space<vmem>>) offsets(%dma_start3A_398 : memref<128xi32, #tpu.memory_space<vmem>>) semaphore(%arg14 : memref<!tpu.dma_semaphore, #tpu.memory_space<semaphore_mem>>)
        %mul3A_402 = arith.constant 2 : i32
        %mul3A_403 = arith.muli %add3A_391, %mul3A_402 : i32
        %add3A_404 = arith.constant 1 : i32
        %add3A_405 = arith.addi %mul3A_403, %add3A_404 : i32
        %dma_start3A_406 = arith.constant 0 : i32
        %dma_start3A_407 = tpu.memref_slice %arg5[%add3A_405, %dma_start3A_406] : memref<200x128xi32, #tpu.memory_space<vmem>> -> memref<1x128xi32, #tpu.memory_space<vmem>>
        %dma_start3A_408 = tpu.memref_squeeze %dma_start3A_407 : memref<1x128xi32, #tpu.memory_space<vmem>> -> memref<128xi32, #tpu.memory_space<vmem>>
        %dma_start3A_409 = arith.constant 0 : i32
        %dma_start3A_410 = arith.constant 0 : i32
        %dma_start3A_411 = tpu.memref_slice %arg3[%dma_start3A_409, %dma_start3A_410] : memref<1000000x64xf32, #tpu.memory_space<hbm>> -> memref<1000000x64xf32, #tpu.memory_space<hbm>>
        tpu.enqueue_indirect_dma source(%dma_start3A_411 : memref<1000000x64xf32, #tpu.memory_space<hbm>>) target(%arg7 : memref<128x64xf32, #tpu.memory_space<vmem>>) offsets(%dma_start3A_408 : memref<128xi32, #tpu.memory_space<vmem>>) semaphore(%arg14 : memref<!tpu.dma_semaphore, #tpu.memory_space<semaphore_mem>>)
      } else {
      }
      %parallel_loop3A_286 = arith.constant 0 : i32
      %parallel_loop3A_287 = arith.constant 128 : i32
      %parallel_loop3A_288 = arith.constant 1 : i32
      scf.for %parallel_loop3A_390 = %parallel_loop3A_286 to %parallel_loop3A_287 step %parallel_loop3A_288  : i32 {
        %parallel_loop3A_391 = vector.broadcast %parallel_loop3A_390 : i32 to vector<16xi32>
        %parallel_loop3A_392 = arith.addi %mul3A_39, %parallel_loop3A_391 : vector<16xi32>
        %parallel_loop3A_393 = arith.index_cast %parallel_loop3A_390 : i32 to index
        %parallel_loop3A_394 = arith.constant 0 : index
        %parallel_loop3A_395 = tpu.vector_load %arg8[%parallel_loop3A_393, %parallel_loop3A_394] {strides = array<i32>} : memref<128x64xf32, #tpu.memory_space<vmem>>, vector<16xf32>,
        tpu.vector_store_idx %arg12[%shift_right_logical3A_7, %and3A_9, %parallel_loop3A_392], %parallel_loop3A_395 : memref<8x8x129xf32, #tpu.memory_space<vmem>>[vector<16xi32>, vector<16xi32>, vector<16xi32>], vector<16xf32>,
        %parallel_loop3A_396 = arith.index_cast %parallel_loop3A_390 : i32 to index
        %parallel_loop3A_397 = arith.constant 16 : index
        %parallel_loop3A_398 = tpu.vector_load %arg8[%parallel_loop3A_396, %parallel_loop3A_397] {strides = array<i32>} : memref<128x64xf32, #tpu.memory_space<vmem>>, vector<16xf32>,
        tpu.vector_store_idx %arg12[%shift_right_logical3A_15, %and3A_18, %parallel_loop3A_392], %parallel_loop3A_398 : memref<8x8x129xf32, #tpu.memory_space<vmem>>[vector<16xi32>, vector<16xi32>, vector<16xi32>], vector<16xf32>,
        %parallel_loop3A_399 = arith.index_cast %parallel_loop3A_390 : i32 to index
        %parallel_loop3A_400 = arith.constant 32 : index
        %parallel_loop3A_401 = tpu.vector_load %arg8[%parallel_loop3A_399, %parallel_loop3A_400] {strides = array<i32>} : memref<128x64xf32, #tpu.memory_space<vmem>>, vector<16xf32>,
        tpu.vector_store_idx %arg12[%shift_right_logical3A_24, %and3A_27, %parallel_loop3A_392], %parallel_loop3A_401 : memref<8x8x129xf32, #tpu.memory_space<vmem>>[vector<16xi32>, vector<16xi32>, vector<16xi32>], vector<16xf32>,
        %parallel_loop3A_402 = arith.index_cast %parallel_loop3A_390 : i32 to index
        %parallel_loop3A_403 = arith.constant 48 : index
        %parallel_loop3A_404 = tpu.vector_load %arg8[%parallel_loop3A_402, %parallel_loop3A_403] {strides = array<i32>} : memref<128x64xf32, #tpu.memory_space<vmem>>, vector<16xf32>,
        tpu.vector_store_idx %arg12[%shift_right_logical3A_33, %and3A_36, %parallel_loop3A_392], %parallel_loop3A_404 : memref<8x8x129xf32, #tpu.memory_space<vmem>>[vector<16xi32>, vector<16xi32>, vector<16xi32>], vector<16xf32>,
      } {sc.loop_unroll_factor = 8 : i64, sc.parallel_access}
      %mul3A_289 = arith.constant 2 : i32
      %mul3A_290 = arith.muli %add3A_261, %mul3A_289 : i32
      %add3A_291 = arith.addi %mul3A_2, %mul3A_290 : i32
      %add3A_292 = arith.constant 0 : i32
      %add3A_293 = arith.addi %add3A_291, %add3A_292 : i32
      %jit3A_294 = arith.constant 128 : i32
      %div3A_295 = arith.divsi %add3A_293, %jit3A_294 : i32
      %sign3A_296 = arith.constant 0 : i32
      %sign3A_297 = arith.cmpi sgt, %add3A_293, %sign3A_296 : i32
      %sign3A_298 = arith.extui %sign3A_297 : i1 to i32
      %sign3A_299 = arith.constant 0 : i32
      %sign3A_300 = arith.cmpi slt, %add3A_293, %sign3A_299 : i32
      %sign3A_301 = arith.extui %sign3A_300 : i1 to i32
      %sign3A_302 = arith.subi %sign3A_298, %sign3A_301 : i32
      %sign3A_303 = arith.constant 0 : i32
      %sign3A_304 = arith.cmpi sgt, %jit3A_294, %sign3A_303 : i32
      %sign3A_305 = arith.extui %sign3A_304 : i1 to i32
      %sign3A_306 = arith.constant 0 : i32
      %sign3A_307 = arith.cmpi slt, %jit3A_294, %sign3A_306 : i32
      %sign3A_308 = arith.extui %sign3A_307 : i1 to i32
      %sign3A_309 = arith.subi %sign3A_305, %sign3A_308 : i32
      %ne3A_310 = arith.cmpi ne, %sign3A_302, %sign3A_309 : i32
      %rem3A_311 = arith.remsi %add3A_293, %jit3A_294 : i32
      %ne3A_312 = arith.constant 0 : i32
      %ne3A_313 = arith.cmpi ne, %rem3A_311, %ne3A_312 : i32
      %and3A_314 = arith.andi %ne3A_310, %ne3A_313 : i1
      %sub3A_315 = arith.constant 1 : i32
      %sub3A_316 = arith.subi %div3A_295, %sub3A_315 : i32
      %select_n3A_317 = arith.select %and3A_314, %sub3A_316, %div3A_295 : i32
      %rem3A_318 = arith.constant 128 : i32
      %rem3A_319 = arith.remsi %add3A_293, %rem3A_318 : i32
      %dma_start3A_320 = arith.constant 0 : i32
      %dma_start3A_321 = arith.constant 0 : i32
      %dma_start3A_322 = arith.constant 0 : i32
      %dma_start3A_323 = tpu.memref_slice %arg12[%dma_start3A_320, %dma_start3A_321, %dma_start3A_322] : memref<8x8x129xf32, #tpu.memory_space<vmem>> -> memref<8x8x128xf32, #tpu.memory_space<vmem>>
      %dma_start3A_324 = arith.constant 0 : i32
      %dma_start3A_325 = arith.constant 0 : i32
      %dma_start3A_326 = arith.constant 0 : i32
      %dma_start3A_327 = tpu.memref_slice %arg4[%select_n3A_317, %dma_start3A_324, %rem3A_319, %dma_start3A_325, %dma_start3A_326] : memref<50x8x128x8x128xf32, #tpu.memory_space<hbm>> -> memref<1x8x1x8x128xf32, #tpu.memory_space<hbm>>
      %dma_start3A_328 = tpu.memref_squeeze %dma_start3A_327 : memref<1x8x1x8x128xf32, #tpu.memory_space<hbm>> -> memref<8x8x128xf32, #tpu.memory_space<hbm>>
      %dma_start3A_329 = arith.constant 0 : i32
      %dma_start3A_330 = arith.constant 0 : i32
      %dma_start3A_331 = arith.constant 0 : i32
      %dma_start3A_332 = tpu.memref_slice %arg4[%select_n3A_317, %dma_start3A_329, %rem3A_319, %dma_start3A_330, %dma_start3A_331] : memref<50x8x128x8x128xf32, #tpu.memory_space<hbm>> -> memref<1x8x1x8x128xf32, #tpu.memory_space<hbm>>
      %dma_start3A_333 = tpu.memref_squeeze %dma_start3A_332 : memref<1x8x1x8x128xf32, #tpu.memory_space<hbm>> -> memref<8x8x128xf32, #tpu.memory_space<hbm>>
      %dma_start3A_334 = arith.constant 0 : i32
      %dma_start3A_335 = arith.constant 0 : i32
      %dma_start3A_336 = arith.constant 0 : i32
      %dma_start3A_337 = tpu.memref_slice %arg12[%dma_start3A_334, %dma_start3A_335, %dma_start3A_336] : memref<8x8x129xf32, #tpu.memory_space<vmem>> -> memref<8x8x128xf32, #tpu.memory_space<vmem>>
      tpu.enqueue_dma source(%dma_start3A_337 : memref<8x8x128xf32, #tpu.memory_space<vmem>>) target(%dma_start3A_333 : memref<8x8x128xf32, #tpu.memory_space<hbm>>) target_semaphore(%arg15 : memref<!tpu.dma_semaphore, #tpu.memory_space<semaphore_mem>>)
      %parallel_loop3A_338 = arith.constant 0 : i32
      %parallel_loop3A_339 = arith.constant 128 : i32
      %parallel_loop3A_340 = arith.constant 1 : i32
      scf.for %parallel_loop3A_390 = %parallel_loop3A_338 to %parallel_loop3A_339 step %parallel_loop3A_340  : i32 {
        %parallel_loop3A_391 = vector.broadcast %parallel_loop3A_390 : i32 to vector<16xi32>
        %parallel_loop3A_392 = arith.addi %mul3A_39, %parallel_loop3A_391 : vector<16xi32>
        %parallel_loop3A_393 = arith.index_cast %parallel_loop3A_390 : i32 to index
        %parallel_loop3A_394 = arith.constant 0 : index
        %parallel_loop3A_395 = tpu.vector_load %arg9[%parallel_loop3A_393, %parallel_loop3A_394] {strides = array<i32>} : memref<128x64xf32, #tpu.memory_space<vmem>>, vector<16xf32>,
        tpu.vector_store_idx %arg13[%shift_right_logical3A_7, %and3A_9, %parallel_loop3A_392], %parallel_loop3A_395 : memref<8x8x129xf32, #tpu.memory_space<vmem>>[vector<16xi32>, vector<16xi32>, vector<16xi32>], vector<16xf32>,
        %parallel_loop3A_396 = arith.index_cast %parallel_loop3A_390 : i32 to index
        %parallel_loop3A_397 = arith.constant 16 : index
        %parallel_loop3A_398 = tpu.vector_load %arg9[%parallel_loop3A_396, %parallel_loop3A_397] {strides = array<i32>} : memref<128x64xf32, #tpu.memory_space<vmem>>, vector<16xf32>,
        tpu.vector_store_idx %arg13[%shift_right_logical3A_15, %and3A_18, %parallel_loop3A_392], %parallel_loop3A_398 : memref<8x8x129xf32, #tpu.memory_space<vmem>>[vector<16xi32>, vector<16xi32>, vector<16xi32>], vector<16xf32>,
        %parallel_loop3A_399 = arith.index_cast %parallel_loop3A_390 : i32 to index
        %parallel_loop3A_400 = arith.constant 32 : index
        %parallel_loop3A_401 = tpu.vector_load %arg9[%parallel_loop3A_399, %parallel_loop3A_400] {strides = array<i32>} : memref<128x64xf32, #tpu.memory_space<vmem>>, vector<16xf32>,
        tpu.vector_store_idx %arg13[%shift_right_logical3A_24, %and3A_27, %parallel_loop3A_392], %parallel_loop3A_401 : memref<8x8x129xf32, #tpu.memory_space<vmem>>[vector<16xi32>, vector<16xi32>, vector<16xi32>], vector<16xf32>,
        %parallel_loop3A_402 = arith.index_cast %parallel_loop3A_390 : i32 to index
        %parallel_loop3A_403 = arith.constant 48 : index
        %parallel_loop3A_404 = tpu.vector_load %arg9[%parallel_loop3A_402, %parallel_loop3A_403] {strides = array<i32>} : memref<128x64xf32, #tpu.memory_space<vmem>>, vector<16xf32>,
        tpu.vector_store_idx %arg13[%shift_right_logical3A_33, %and3A_36, %parallel_loop3A_392], %parallel_loop3A_404 : memref<8x8x129xf32, #tpu.memory_space<vmem>>[vector<16xi32>, vector<16xi32>, vector<16xi32>], vector<16xf32>,
      } {sc.loop_unroll_factor = 8 : i64, sc.parallel_access}
      %mul3A_341 = arith.constant 2 : i32
      %mul3A_342 = arith.muli %add3A_261, %mul3A_341 : i32
      %add3A_343 = arith.addi %mul3A_2, %mul3A_342 : i32
      %add3A_344 = arith.constant 1 : i32
      %add3A_345 = arith.addi %add3A_343, %add3A_344 : i32
      %jit3A_346 = arith.constant 128 : i32
      %div3A_347 = arith.divsi %add3A_345, %jit3A_346 : i32
      %sign3A_348 = arith.constant 0 : i32
      %sign3A_349 = arith.cmpi sgt, %add3A_345, %sign3A_348 : i32
      %sign3A_350 = arith.extui %sign3A_349 : i1 to i32
      %sign3A_351 = arith.constant 0 : i32
      %sign3A_352 = arith.cmpi slt, %add3A_345, %sign3A_351 : i32
      %sign3A_353 = arith.extui %sign3A_352 : i1 to i32
      %sign3A_354 = arith.subi %sign3A_350, %sign3A_353 : i32
      %sign3A_355 = arith.constant 0 : i32
      %sign3A_356 = arith.cmpi sgt, %jit3A_346, %sign3A_355 : i32
      %sign3A_357 = arith.extui %sign3A_356 : i1 to i32
      %sign3A_358 = arith.constant 0 : i32
      %sign3A_359 = arith.cmpi slt, %jit3A_346, %sign3A_358 : i32
      %sign3A_360 = arith.extui %sign3A_359 : i1 to i32
      %sign3A_361 = arith.subi %sign3A_357, %sign3A_360 : i32
      %ne3A_362 = arith.cmpi ne, %sign3A_354, %sign3A_361 : i32
      %rem3A_363 = arith.remsi %add3A_345, %jit3A_346 : i32
      %ne3A_364 = arith.constant 0 : i32
      %ne3A_365 = arith.cmpi ne, %rem3A_363, %ne3A_364 : i32
      %and3A_366 = arith.andi %ne3A_362, %ne3A_365 : i1
      %sub3A_367 = arith.constant 1 : i32
      %sub3A_368 = arith.subi %div3A_347, %sub3A_367 : i32
      %select_n3A_369 = arith.select %and3A_366, %sub3A_368, %div3A_347 : i32
      %rem3A_370 = arith.constant 128 : i32
      %rem3A_371 = arith.remsi %add3A_345, %rem3A_370 : i32
      %dma_start3A_372 = arith.constant 0 : i32
      %dma_start3A_373 = arith.constant 0 : i32
      %dma_start3A_374 = arith.constant 0 : i32
      %dma_start3A_375 = tpu.memref_slice %arg13[%dma_start3A_372, %dma_start3A_373, %dma_start3A_374] : memref<8x8x129xf32, #tpu.memory_space<vmem>> -> memref<8x8x128xf32, #tpu.memory_space<vmem>>
      %dma_start3A_376 = arith.constant 0 : i32
      %dma_start3A_377 = arith.constant 0 : i32
      %dma_start3A_378 = arith.constant 0 : i32
      %dma_start3A_379 = tpu.memref_slice %arg4[%select_n3A_369, %dma_start3A_376, %rem3A_371, %dma_start3A_377, %dma_start3A_378] : memref<50x8x128x8x128xf32, #tpu.memory_space<hbm>> -> memref<1x8x1x8x128xf32, #tpu.memory_space<hbm>>
      %dma_start3A_380 = tpu.memref_squeeze %dma_start3A_379 : memref<1x8x1x8x128xf32, #tpu.memory_space<hbm>> -> memref<8x8x128xf32, #tpu.memory_space<hbm>>
      %dma_start3A_381 = arith.constant 0 : i32
      %dma_start3A_382 = arith.constant 0 : i32
      %dma_start3A_383 = arith.constant 0 : i32
      %dma_start3A_384 = tpu.memref_slice %arg4[%select_n3A_369, %dma_start3A_381, %rem3A_371, %dma_start3A_382, %dma_start3A_383] : memref<50x8x128x8x128xf32, #tpu.memory_space<hbm>> -> memref<1x8x1x8x128xf32, #tpu.memory_space<hbm>>
      %dma_start3A_385 = tpu.memref_squeeze %dma_start3A_384 : memref<1x8x1x8x128xf32, #tpu.memory_space<hbm>> -> memref<8x8x128xf32, #tpu.memory_space<hbm>>
      %dma_start3A_386 = arith.constant 0 : i32
      %dma_start3A_387 = arith.constant 0 : i32
      %dma_start3A_388 = arith.constant 0 : i32
      %dma_start3A_389 = tpu.memref_slice %arg13[%dma_start3A_386, %dma_start3A_387, %dma_start3A_388] : memref<8x8x129xf32, #tpu.memory_space<vmem>> -> memref<8x8x128xf32, #tpu.memory_space<vmem>>
      tpu.enqueue_dma source(%dma_start3A_389 : memref<8x8x128xf32, #tpu.memory_space<vmem>>) target(%dma_start3A_385 : memref<8x8x128xf32, #tpu.memory_space<hbm>>) target_semaphore(%arg15 : memref<!tpu.dma_semaphore, #tpu.memory_space<semaphore_mem>>)
    }
    %scan3A_57 = arith.constant 50 : i32
    %dma_wait3A = arith.constant 0 : i32
    %dma_wait3A_58 = arith.constant 0 : i32
    %dma_wait3A_59 = arith.constant 0 : i32
    %dma_wait3A_60 = arith.constant 0 : i32
    %dma_wait3A_61 = arith.constant 0 : i32
    %dma_wait3A_62 = tpu.memref_slice %arg10[%dma_wait3A_59, %dma_wait3A_60, %dma_wait3A_61] : memref<8x8x129xf32, #tpu.memory_space<vmem>> -> memref<8x8x128xf32, #tpu.memory_space<vmem>>
    %dma_wait3A_63 = arith.constant 0 : i32
    %dma_wait3A_64 = arith.constant 0 : i32
    %dma_wait3A_65 = arith.constant 0 : i32
    %dma_wait3A_66 = tpu.memref_slice %arg4[%dma_wait3A, %dma_wait3A_63, %dma_wait3A_58, %dma_wait3A_64, %dma_wait3A_65] : memref<50x8x128x8x128xf32, #tpu.memory_space<hbm>> -> memref<1x8x1x8x128xf32, #tpu.memory_space<hbm>>
    %dma_wait3A_67 = tpu.memref_squeeze %dma_wait3A_66 : memref<1x8x1x8x128xf32, #tpu.memory_space<hbm>> -> memref<8x8x128xf32, #tpu.memory_space<hbm>>
    %dma_wait3A_68 = arith.constant 0 : i32
    %dma_wait3A_69 = arith.constant 0 : i32
    %dma_wait3A_70 = arith.constant 0 : i32
    %dma_wait3A_71 = tpu.memref_slice %arg4[%dma_wait3A, %dma_wait3A_68, %dma_wait3A_58, %dma_wait3A_69, %dma_wait3A_70] : memref<50x8x128x8x128xf32, #tpu.memory_space<hbm>> -> memref<1x8x1x8x128xf32, #tpu.memory_space<hbm>>
    %dma_wait3A_72 = tpu.memref_squeeze %dma_wait3A_71 : memref<1x8x1x8x128xf32, #tpu.memory_space<hbm>> -> memref<8x8x128xf32, #tpu.memory_space<hbm>>
    %dma_wait3A_73 = arith.constant 0 : i32
    %dma_wait3A_74 = arith.constant 0 : i32
    %dma_wait3A_75 = arith.constant 0 : i32
    %dma_wait3A_76 = tpu.memref_slice %arg10[%dma_wait3A_73, %dma_wait3A_74, %dma_wait3A_75] : memref<8x8x129xf32, #tpu.memory_space<vmem>> -> memref<8x8x128xf32, #tpu.memory_space<vmem>>
    tpu.wait_dma2 semaphore(%arg15 : memref<!tpu.dma_semaphore, #tpu.memory_space<semaphore_mem>>) src(%dma_wait3A_76 : memref<8x8x128xf32, #tpu.memory_space<vmem>>) dst(%dma_wait3A_72 : memref<8x8x128xf32, #tpu.memory_space<hbm>>)
    %dma_wait3A_77 = arith.constant 0 : i32
    %dma_wait3A_78 = arith.constant 0 : i32
    %dma_wait3A_79 = arith.constant 0 : i32
    %dma_wait3A_80 = arith.constant 0 : i32
    %dma_wait3A_81 = arith.constant 0 : i32
    %dma_wait3A_82 = tpu.memref_slice %arg11[%dma_wait3A_79, %dma_wait3A_80, %dma_wait3A_81] : memref<8x8x129xf32, #tpu.memory_space<vmem>> -> memref<8x8x128xf32, #tpu.memory_space<vmem>>
    %dma_wait3A_83 = arith.constant 0 : i32
    %dma_wait3A_84 = arith.constant 0 : i32
    %dma_wait3A_85 = arith.constant 0 : i32
    %dma_wait3A_86 = tpu.memref_slice %arg4[%dma_wait3A_77, %dma_wait3A_83, %dma_wait3A_78, %dma_wait3A_84, %dma_wait3A_85] : memref<50x8x128x8x128xf32, #tpu.memory_space<hbm>> -> memref<1x8x1x8x128xf32, #tpu.memory_space<hbm>>
    %dma_wait3A_87 = tpu.memref_squeeze %dma_wait3A_86 : memref<1x8x1x8x128xf32, #tpu.memory_space<hbm>> -> memref<8x8x128xf32, #tpu.memory_space<hbm>>
    %dma_wait3A_88 = arith.constant 0 : i32
    %dma_wait3A_89 = arith.constant 0 : i32
    %dma_wait3A_90 = arith.constant 0 : i32
    %dma_wait3A_91 = tpu.memref_slice %arg4[%dma_wait3A_77, %dma_wait3A_88, %dma_wait3A_78, %dma_wait3A_89, %dma_wait3A_90] : memref<50x8x128x8x128xf32, #tpu.memory_space<hbm>> -> memref<1x8x1x8x128xf32, #tpu.memory_space<hbm>>
    %dma_wait3A_92 = tpu.memref_squeeze %dma_wait3A_91 : memref<1x8x1x8x128xf32, #tpu.memory_space<hbm>> -> memref<8x8x128xf32, #tpu.memory_space<hbm>>
    %dma_wait3A_93 = arith.constant 0 : i32
    %dma_wait3A_94 = arith.constant 0 : i32
    %dma_wait3A_95 = arith.constant 0 : i32
    %dma_wait3A_96 = tpu.memref_slice %arg11[%dma_wait3A_93, %dma_wait3A_94, %dma_wait3A_95] : memref<8x8x129xf32, #tpu.memory_space<vmem>> -> memref<8x8x128xf32, #tpu.memory_space<vmem>>
    tpu.wait_dma2 semaphore(%arg15 : memref<!tpu.dma_semaphore, #tpu.memory_space<semaphore_mem>>) src(%dma_wait3A_96 : memref<8x8x128xf32, #tpu.memory_space<vmem>>) dst(%dma_wait3A_92 : memref<8x8x128xf32, #tpu.memory_space<hbm>>)
    %dma_wait3A_97 = arith.constant 0 : i32
    %dma_wait3A_98 = arith.constant 0 : i32
    %dma_wait3A_99 = arith.constant 0 : i32
    %dma_wait3A_100 = arith.constant 0 : i32
    %dma_wait3A_101 = arith.constant 0 : i32
    %dma_wait3A_102 = tpu.memref_slice %arg10[%dma_wait3A_99, %dma_wait3A_100, %dma_wait3A_101] : memref<8x8x129xf32, #tpu.memory_space<vmem>> -> memref<8x8x128xf32, #tpu.memory_space<vmem>>
    %dma_wait3A_103 = arith.constant 0 : i32
    %dma_wait3A_104 = arith.constant 0 : i32
    %dma_wait3A_105 = arith.constant 0 : i32
    %dma_wait3A_106 = tpu.memref_slice %arg4[%dma_wait3A_97, %dma_wait3A_103, %dma_wait3A_98, %dma_wait3A_104, %dma_wait3A_105] : memref<50x8x128x8x128xf32, #tpu.memory_space<hbm>> -> memref<1x8x1x8x128xf32, #tpu.memory_space<hbm>>
    %dma_wait3A_107 = tpu.memref_squeeze %dma_wait3A_106 : memref<1x8x1x8x128xf32, #tpu.memory_space<hbm>> -> memref<8x8x128xf32, #tpu.memory_space<hbm>>
    %dma_wait3A_108 = arith.constant 0 : i32
    %dma_wait3A_109 = arith.constant 0 : i32
    %dma_wait3A_110 = arith.constant 0 : i32
    %dma_wait3A_111 = tpu.memref_slice %arg4[%dma_wait3A_97, %dma_wait3A_108, %dma_wait3A_98, %dma_wait3A_109, %dma_wait3A_110] : memref<50x8x128x8x128xf32, #tpu.memory_space<hbm>> -> memref<1x8x1x8x128xf32, #tpu.memory_space<hbm>>
    %dma_wait3A_112 = tpu.memref_squeeze %dma_wait3A_111 : memref<1x8x1x8x128xf32, #tpu.memory_space<hbm>> -> memref<8x8x128xf32, #tpu.memory_space<hbm>>
    %dma_wait3A_113 = arith.constant 0 : i32
    %dma_wait3A_114 = arith.constant 0 : i32
    %dma_wait3A_115 = arith.constant 0 : i32
    %dma_wait3A_116 = tpu.memref_slice %arg10[%dma_wait3A_113, %dma_wait3A_114, %dma_wait3A_115] : memref<8x8x129xf32, #tpu.memory_space<vmem>> -> memref<8x8x128xf32, #tpu.memory_space<vmem>>
    tpu.wait_dma2 semaphore(%arg15 : memref<!tpu.dma_semaphore, #tpu.memory_space<semaphore_mem>>) src(%dma_wait3A_116 : memref<8x8x128xf32, #tpu.memory_space<vmem>>) dst(%dma_wait3A_112 : memref<8x8x128xf32, #tpu.memory_space<hbm>>)
    %dma_wait3A_117 = arith.constant 0 : i32
    %dma_wait3A_118 = arith.constant 0 : i32
    %dma_wait3A_119 = arith.constant 0 : i32
    %dma_wait3A_120 = arith.constant 0 : i32
    %dma_wait3A_121 = arith.constant 0 : i32
    %dma_wait3A_122 = tpu.memref_slice %arg11[%dma_wait3A_119, %dma_wait3A_120, %dma_wait3A_121] : memref<8x8x129xf32, #tpu.memory_space<vmem>> -> memref<8x8x128xf32, #tpu.memory_space<vmem>>
    %dma_wait3A_123 = arith.constant 0 : i32
    %dma_wait3A_124 = arith.constant 0 : i32
    %dma_wait3A_125 = arith.constant 0 : i32
    %dma_wait3A_126 = tpu.memref_slice %arg4[%dma_wait3A_117, %dma_wait3A_123, %dma_wait3A_118, %dma_wait3A_124, %dma_wait3A_125] : memref<50x8x128x8x128xf32, #tpu.memory_space<hbm>> -> memref<1x8x1x8x128xf32, #tpu.memory_space<hbm>>
    %dma_wait3A_127 = tpu.memref_squeeze %dma_wait3A_126 : memref<1x8x1x8x128xf32, #tpu.memory_space<hbm>> -> memref<8x8x128xf32, #tpu.memory_space<hbm>>
    %dma_wait3A_128 = arith.constant 0 : i32
    %dma_wait3A_129 = arith.constant 0 : i32
    %dma_wait3A_130 = arith.constant 0 : i32
    %dma_wait3A_131 = tpu.memref_slice %arg4[%dma_wait3A_117, %dma_wait3A_128, %dma_wait3A_118, %dma_wait3A_129, %dma_wait3A_130] : memref<50x8x128x8x128xf32, #tpu.memory_space<hbm>> -> memref<1x8x1x8x128xf32, #tpu.memory_space<hbm>>
    %dma_wait3A_132 = tpu.memref_squeeze %dma_wait3A_131 : memref<1x8x1x8x128xf32, #tpu.memory_space<hbm>> -> memref<8x8x128xf32, #tpu.memory_space<hbm>>
    %dma_wait3A_133 = arith.constant 0 : i32
    %dma_wait3A_134 = arith.constant 0 : i32
    %dma_wait3A_135 = arith.constant 0 : i32
    %dma_wait3A_136 = tpu.memref_slice %arg11[%dma_wait3A_133, %dma_wait3A_134, %dma_wait3A_135] : memref<8x8x129xf32, #tpu.memory_space<vmem>> -> memref<8x8x128xf32, #tpu.memory_space<vmem>>
    tpu.wait_dma2 semaphore(%arg15 : memref<!tpu.dma_semaphore, #tpu.memory_space<semaphore_mem>>) src(%dma_wait3A_136 : memref<8x8x128xf32, #tpu.memory_space<vmem>>) dst(%dma_wait3A_132 : memref<8x8x128xf32, #tpu.memory_space<hbm>>)
    return
  }
}

</mosaic_0001>

<sc_bundles>
// kernel: kernel.3.cloned.1.call-start
scs
__scs_entry_jumppad:
0x0: {  	(pc) =	sbr.rel $0x88, $3  }
0x1: {  	(tag) =	ssettag $0x0;
	lr =	simm.s32 $0x1  }
0x2: {  	[smem:$0x3F9F] =	sst lr;
	_ =	strace $0xD0000000  }
0x3: {  	_ = 	snop  }
0x4: {  	_ = 	snop  }
0x5: {  	_ = 	snop  }
0x6: {  	_ = 	snop  }
0x7: {  	_ = 	snop  }
__scs_overlays_trampoline_lowered:
0x8: {  	[smem:$0x3FAE] =	sst s0  }
0x9: {  	[smem:$0x3FAF] =	sst s1  }
0xa: {  	[smem:$0x3FB0] =	sst s2  }
0xb: {  	[smem:$0x3FB1] =	sst s3  }
0xc: {  	[smem:$0x3FB2] =	sst s4  }
0xd: {  	[smem:$0x3FB3] =	sst s5  }
0xe: {  	[smem:$0x3FB4] =	sst s6  }
0xf: {  	[smem:$0x3FB5] =	sst s7  }
0x10: {  	[smem:$0x3FB6] =	sst s8  }
0x11: {  	[smem:$0x3FB7] =	sst s9;
	s0 =	simm.s32 @!p0 $0x0  }
0x12: {  	s1 =	sld [smem:$0x3F9D];
	s0 =	simm.s32 @p0 $0x1  }
0x13: {  	[smem:$0x3FB8] =	sst s0;
	s0 =	simm.s32 @!p1 $0x0  }
0x14: {  	s2 =	sld [smem:$0x3F9C];
	s0 =	simm.s32 @p1 $0x1  }
0x15: {  	[smem:$0x3FB9] =	sst s0;
	s0 =	simm.s32 @!p2 $0x0  }
0x16: {  	s3 =	sld [smem:$0x3FDB];
	s0 =	simm.s32 @p2 $0x1  }
0x17: {  	s4 =	simm.s32 $0x1BF5;
	[smem:$0x3FBB] =	sst s0  }
0x18: {  	s0 =	sld [smem:$0x3F9E];
	_ =	swait.ge [sflag:s4], $0x0  }
0x19: {  	s7 =	sld [smem:$0x3F9F]  }
0x1a: {  	s8 =	sadd.s32 $0xFFFFE003, lr  }
0x1b: {  	s9 =	sadd.s32 $0xFFFFFEF7, lr;
	s5 =	simm.s32 $0xFFFFFFFF;
	p2 =	slt.u32 s8, $0xFFFFF086  }
0x1c: {  	p1 =	slt.u32 s9, $0xF7A;
	s5 =	simm.s32 @!p2 $0x0  }
0x1d: {  	s5 =	simm.s32 @p1 $0x1;
	p0 =	seq.s32 s7, s2  }
0x1e: {  	s7 =	smul.u32 @!p0 $0xF7A, s2;
	p2 =	seq.s32 @!p0 s5, $0x0  }
0x1f: {  	s9 =	smul.u32 $0xF7A, s1;
	s8 =	simm.s32 @!p0 $0x1BF5;
	p2 =	por !p2, p0  }
0x20: {  	[sflag:s8] =	ssyncset.s32 @!p0 $0xFFFFF086;
	s6 =	sadd.s32 @!p0 s3, s7;
	s7 =	simm.s32 @!p0 $0x108  }
0x21: {  	s3 =	sadd.s32 s3, s9;
	s6 =	sadd.s32 @!p0 $0x88, s6;
	s7 =	simm.s32 @p2 $0x1082  }
0x22: {  	[simem:s7], [sflag:s8] =	dma.local @!p0 [hbm:s6], $0xF7A  }
0x23: {  	s9 =	sor.u32 $0xD0000000, s2;
	s6 =	simm.s32 $0x108;
	_ =	swait.ge @!p0 [sflag:s8], $0x0  }
0x24: {  	s3 =	sadd.s32 $0x88, s3;
	s6 =	simm.s32 @!p1 $0x1082;
	[sflag:s4] =	ssyncset.s32 $0xFFFFF086  }
0x25: {  	[simem:s6], [sflag:s4] =	dma.local [hbm:s3], $0xF7A  }
0x26: {  	[smem:$0x3F9F] =	sst s1;
	(tag) =	ssettag s2;
	_ =	strace s9  }
0x27: {  	s1 =	sld [smem:$0x3FAF]  }
0x28: {  	s2 =	sld [smem:$0x3FB0]  }
0x29: {  	s4 =	sld [smem:$0x3FB2]  }
0x2a: {  	p0 =	seq.s32 s5, $0x0;
	s5 =	sld [smem:$0x3FB3]  }
0x2b: {  	s6 =	sld [smem:$0x3FB4]  }
0x2c: {  	s7 =	sld [smem:$0x3FB5]  }
0x2d: {  	s3 =	simm.s32 $0x108;
	s8 =	sld [smem:$0x3FB6]  }
0x2e: {  	s3 =	simm.s32 @!p0 $0x1082;
	s9 =	sld [smem:$0x3FB7]  }
0x2f: {  	lr =	sadd.s32 s0, s3;
	s0 =	sld [smem:$0x3FAE]  }
0x30: {  	s3 =	sld [smem:$0x3FB1]  }
0x31: {  	[smem:$0x3FBA] =	sst s10  }
0x32: {  	s10 =	sld [smem:$0x3FB8];
	_ =	sdelay $0x3  }
0x33: {  	p0 =	seq.s32 s10, $0x1;
	s10 =	sld [smem:$0x3FBA];
	_ =	sdelay $0x3  }
0x34: {  	[smem:$0x3FBA] =	sst s10  }
0x35: {  	s10 =	sld [smem:$0x3FB9];
	_ =	sdelay $0x3  }
0x36: {  	p1 =	seq.s32 s10, $0x1;
	s10 =	sld [smem:$0x3FBA];
	_ =	sdelay $0x3  }
0x37: {  	[smem:$0x3FBA] =	sst s10  }
0x38: {  	s10 =	sld [smem:$0x3FBB]  }
0x39: {  	_ = 	snop;
	(pc) =	sbr.ind lr, $3  }
0x3a: {  	_ = 	snop  }
0x3b: {  	_ = 	snop  }
0x3c: {  	p2 =	seq.s32 s10, $0x1;
	s10 =	sld [smem:$0x3FBA]  }
0x3d: {  	_ =	shalt  }
0x3e: {  	_ =	shalt  }
0x3f: {  	_ =	shalt  }
0x40: {  	_ =	shalt  }
0x41: {  	_ =	shalt  }
0x42: {  	_ =	shalt  }
0x43: {  	_ =	shalt  }
0x44: {  	_ =	shalt  }
0x45: {  	_ =	shalt  }
0x46: {  	_ =	shalt  }
0x47: {  	_ =	shalt  }
0x48: {  	_ =	shalt  }
0x49: {  	_ =	shalt  }
0x4a: {  	_ =	shalt  }
0x4b: {  	_ =	shalt  }
0x4c: {  	_ =	shalt  }
0x4d: {  	_ =	shalt  }
0x4e: {  	_ =	shalt  }
0x4f: {  	_ =	shalt  }
0x50: {  	_ =	shalt  }
0x51: {  	_ =	shalt  }
0x52: {  	_ =	shalt  }
0x53: {  	_ =	shalt  }
0x54: {  	_ =	shalt  }
0x55: {  	_ =	shalt  }
0x56: {  	_ =	shalt  }
0x57: {  	_ =	shalt  }
0x58: {  	_ =	shalt  }
0x59: {  	_ =	shalt  }
0x5a: {  	_ =	shalt  }
0x5b: {  	_ =	shalt  }
0x5c: {  	_ =	shalt  }
0x5d: {  	_ =	shalt  }
0x5e: {  	_ =	shalt  }
0x5f: {  	_ =	shalt  }
0x60: {  	_ =	shalt  }
0x61: {  	_ =	shalt  }
0x62: {  	_ =	shalt  }
0x63: {  	_ =	shalt  }
0x64: {  	_ =	shalt  }
0x65: {  	_ =	shalt  }
0x66: {  	_ =	shalt  }
0x67: {  	_ =	shalt  }
0x68: {  	_ =	shalt  }
0x69: {  	_ =	shalt  }
0x6a: {  	_ =	shalt  }
0x6b: {  	_ =	shalt  }
0x6c: {  	_ =	shalt  }
0x6d: {  	_ =	shalt  }
0x6e: {  	_ =	shalt  }
0x6f: {  	_ =	shalt  }
0x70: {  	_ =	shalt  }
0x71: {  	_ =	shalt  }
0x72: {  	_ =	shalt  }
0x73: {  	_ =	shalt  }
0x74: {  	_ =	shalt  }
0x75: {  	_ =	shalt  }
0x76: {  	_ =	shalt  }
0x77: {  	_ =	shalt  }
0x78: {  	_ =	shalt  }
0x79: {  	_ =	shalt  }
0x7a: {  	_ =	shalt  }
0x7b: {  	_ =	shalt  }
0x7c: {  	_ =	shalt  }
0x7d: {  	_ =	shalt  }
0x7e: {  	_ =	shalt  }
0x7f: {  	_ =	shalt  }
0x80: {  	_ =	shalt  }
0x81: {  	_ =	shalt  }
0x82: {  	_ =	shalt  }
0x83: {  	_ =	shalt  }
0x84: {  	_ =	shalt  }
0x85: {  	_ =	shalt  }
0x86: {  	_ =	shalt  }
0x87: {  	_ =	shalt  }
.Lfunc_end0:
.L_simem_size_0:
called_computation_lowered:
.L_overlay_start_0:
0x88: {  	s2 =	sld [smem:$0x3FD9]  }
0x89: {  	s3 =	sld [smem:$0x3FFE];
	_ =	sdelay $0x1  }
0x8a: {  	s1 =	srdreg.scid  }
0x8b: {  	s0 =	sand.u32 $0x1, s1  }
0x8c: {  	s17 =	sshll.u32 s0, $0xA;
	s2 =	sadd.s32 s3, s2  }
0x8d: {  	s2 =	sadd.s32 s2, s17  }
0x8e: {  	[smem:$0x3FC6] =	sst s2  }
0x8f: {  	_ = 	snop  }
0x90: {  	s2 =	sld [smem:$0x3FD0];
	(tm) =	ssettm $0x1  }
0x91: {  	s18 =	sld [smem:$0x3FFB];
	_ =	sdelay $0x3  }
0x92: {  	_ =	strace s18  }
0x93: {  	s3 =	sld [smem:$0x3FFC];
	_ =	sdelay $0x3  }
0x94: {  	_ =	strace s3  }
0x95: {  	s3 =	sld [smem:$0x3FFD];
	_ =	sdelay $0x3  }
0x96: {  	_ =	strace s3  }
0x97: {  	_ =	strace $0x8FFFFFFF  }
0x98: {  	s19 =	sld [smem:$0x3FDB];
	_ =	sdelay $0x1  }
0x99: {  	s4 =	simm.s32 $_scs_section_size  }
0x9a: {  	s5 =	simm.s32 $_size__tile_overlayer_lowered;
	s6 =	simm.s32 $_tile_overlayer_lowered  }
0x9b: {  	s22 =	simm.s32 $0x1BFF;
	s21 =	sshll.u32 s6, $0x1;
	s3 =	sadd.s32 s4, s19  }
0x9c: {  	s7 =	simm.s32 $0x0;
	s20 =	sshll.u32 s5, $0x1;
	s5 =	sadd.s32 s21, s3  }
0x9d: {  	[timem:s7], [sflag:s22] =	dma.local [hbm:s5], s20  }
0x9e: {  	_ =	swait.ge [sflag:s22], s20  }
0x9f: {  	s4 =	ssub.s32 $0x0, s20;
	[sflag:s22] =	ssyncset.done $0x0  }
0xa0: {  	[sflag:s22] =	ssyncadd.s32 s4;
	_ =	sdelay $0x1  }
0xa1: {  	s23 =	simm.s32 $0x1B8B  }
0xa2: {  	_ =	swait.ge [sflag:s23], $0x1  }
0xa3: {  	[sflag:s23] =	ssyncset.done $0x0  }
0xa4: {  	s25 =	simm.s32 $0x1B8E;
	s24 =	sld [smem:$0x3FFE];
	[sflag:s23] =	ssyncadd.s32 $0xFFFFFFFF  }
0xa5: {  	s26 =	simm.s32 $execute0_lowered;
	[smem:$0x3FD2] =	sst s25  }
0xa6: {  	s5 =	sshll.u32 s26, $0x1;
	_ =	strace $0x80000046;
	[dreg:$0x1] =	wrdreg $0xFFFFFFFF  }
0xa7: {  	s28 =	simm.s32 $_size_execute0_lowered;
	s3 =	sadd.s32 s3, s5;
	[dreg:$0x0] =	wrdreg $0x0  }
0xa8: {  	s5 =	sshll.u32 s28, $0x1;
	[dreg:$0x2] =	wrdreg s3  }
0xa9: {  	[dreg:$0x3] =	wrdreg s5  }
0xaa: {  	[dreg:$0x4] =	wrdreg $0xC0  }
0xab: {  	_ =	task [dreg:s7], $0x5FFFF  }
0xac: {  	[dreg:$0x1] =	wrdreg $0xFFFFFFFF  }
0xad: {  	[dreg:$0x0] =	wrdreg $0x60  }
0xae: {  	[dreg:$0x2] =	wrdreg s24  }
0xaf: {  	[dreg:$0x3] =	wrdreg s2  }
0xb0: {  	[dreg:$0x4] =	wrdreg $0x9  }
0xb1: {  	_ =	task.clear_ibuf [dreg:s7], $0x5FFFF;
	_ =	strace $0x90000046  }
0xb2: {  	s29 =	simm.s32 $0x9;
	_ =	strace $0x80000048  }
0xb3: {  	_ =	swait.ge [sflag:s29], $0x1  }
0xb4: {  	[sflag:s29] =	ssyncadd.s32 $0xFFFFFFFF  }
0xb5: {  	_ =	strace $0x90000048  }
0xb6: {  	_ =	sfence  }
0xb7: {  	s30 =	sld [smem:$0x0];
	_ =	sdelay $0x2  }
0xb8: {  	s31 =	sshll.u32 s1, $0xD;
	s1 =	sshrl.u32 s1, $0x2  }
0xb9: {  	s3 =	sand.u32 $0x4000, s31;
	s1 =	sadd.s32 s1, s30  }
0xba: {  	s0 =	sor.u32 s3, s0;
	s1 =	sshll.u32 s1, $0x11  }
0xbb: {  	s0 =	sor.u32 s1, s0  }
0xbc: {  	s0 =	sadd.s32 $0x8F2B, s0  }
0xbd: {  	[sflag:s0] =	ssyncadd.remote.s32 $0x1  }
0xbe: {  	_ =	sfence.sel $0xFFFF  }
0xbf: {  	[dreg:$0x0] =	wrdreg $0xFFFFFFFF;
	(pc) =	sbr.abs _section_cstart, $3  }
0xc0: {  	[dreg:$0x1] =	wrdreg $0xFFFFFFFF  }
0xc1: {  	_ =	task.clear_ibuf [dreg:s7], $0x2FFFF;
	_ =	strace $0x9FFFFFFF  }
0xc2: {  	(tm) =	ssettm $0x7FFFFFFF  }
0xc3: {  	_ =	shalt  }
tec
execute0_lowered:
.L_overlay_start_1:
0x0: {  	(tag) =	ssettag $0x1  }
0x1: {  	v0 =	vlaneseq.u32  }
0x2: {  	v0 =	vmul.u32 $0x88, v0  }
0x3: {  	v1 =	vimm.s32 $0x0;
	vm0 =	vcmask $0x300  }
0x4: {  	s1 =	srdreg.scid;
	s4 =	rddreg [dreg:$0x0];
	v1 =	vsel vm0, $0x3, v1;
	v2 =	vadd.s32 $0x880, v0  }
0x5: {  	s0 =	stileid.u32;
	s2 =	rddreg [dreg:$0x1];
	s3 =	simm.s32 $0x0;
	v3 =	vadd.s32 $0x1100, v0;
	v4 =	vadd.s32 $0x1980, v0;
	v5 =	vor.u32 $0x1, v0  }
0x6: {  	s9 =	simm.s32 $0x80;
	s10 =	simm.s32 $0x6400;
	s11 =	simm.s32 $0x8400;
	v6 =	vadd.s32 $0x881, v0;
	v7 =	vadd.s32 $0x1101, v0;
	v8 =	vadd.s32 $0x1981, v0  }
0x7: {  	s12 =	simm.s32 $0x1;
	s13 =	simm.s32 $0xA400;
	s14 =	simm.s32 $0xC400;
	v9 =	vor.u32 $0x2, v0;
	v10 =	vadd.s32 $0x882, v0;
	v11 =	vadd.s32 $0x1102, v0  }
0x8: {  	s15 =	simm.s32 $0xE400;
	s16 =	simm.s32 $0x10600;
	s17 =	simm.s32 $0x12800;
	v12 =	vadd.s32 $0x1982, v0;
	v13 =	vor.u32 $0x3, v0;
	v14 =	vadd.s32 $0x883, v0  }
0x9: {  	s18 =	simm.s32 $0x14A00;
	s5 =	sand.u32 $0x1, s1;
	s31 =	sshll.u32 s0, $0x1;
	v15 =	vadd.s32 $0x1103, v0;
	v16 =	vadd.s32 $0x1983, v0;
	v17 =	vor.u32 $0x4, v0  }
0xa: {  	s19 =	simm.s32 $0x2;
	s6 =	sor.u32 s5, s31;
	s5 =	ssub.s32 $0x2, s5;
	v18 =	vadd.s32 $0x884, v0;
	v19 =	vadd.s32 $0x1104, v0;
	v20 =	vadd.s32 $0x1984, v0  }
0xb: {  	[smem:$0x7FF] =	sst s3;
	s7 =	smul.u32 $0xC80, s6;
	s8 =	sshrl.u32 s5, $0x1;
	v21 =	vor.u32 $0x5, v0;
	v22 =	vadd.s32 $0x885, v0;
	v23 =	vadd.s32 $0x1105, v0  }
0xc: {  	s20 =	simm.s32 $0x0;
	_ =	strace $0x80000047;
	v24 =	vadd.s32 $0x1985, v0;
	v25 =	vor.u32 $0x6, v0;
	v26 =	vadd.s32 $0x886, v0;
	s8 =	ssub.s32 s5, s8  }
0xd: {  	v27 =	vadd.s32 $0x1106, v0;
	v28 =	vadd.s32 $0x1986, v0;
	v29 =	vor.u32 $0x7, v0;
	s5 =	smul.u32 $0xC8, s6;
	s7 =	sadd.s32 s7, s4;
	s4 =	sadd.s32 $0xF42A00, s4  }
0xe: {  	v30 =	vadd.s32 $0x887, v0;
	v31 =	vadd.s32 $0x1107, v0;
	v32 =	vadd.s32 $0x1987, v0;
	s6 =	sadd.s32 $0x600, s7;
	s7 =	smax.u32 s8, $0x1;
	s8 =	simm.s32 $0x3  }
.LBB2_1:
0xf: {  	[tilespmem:s3], [sflag:$0x3] =	stream.linear.gather [hbm4b:s6+s3], $0x6400, $0x38;
	[tilespmem:$0x16C00] =	vst v63  }
0x10: {  	_ =	swait.ge [sflag:s8], $0x6400  }
0x11: {  	[sflag:s8] =	ssyncset.done $0x0  }
0x12: {  	[sflag:s8] =	ssyncadd.s32 $0xFFFF9C00  }
0x13: {  	[tilespmem:s10], [sflag:$0x1] =	stream.indirect.gather [hbm4b:s4+s9], $0x40, s3, s9, $0xb8;
	[tilespmem:$0x16C00] =	vst v63  }
0x14: {  	s21 =	simm.s32 $0x0  }
0x15: {  	[tilespmem:s11], [sflag:$0x1] =	stream.indirect.gather [hbm4b:s4+s9], $0x40, s9, s9, $0xb8;
	[tilespmem:$0x16C00] =	vst v63  }
.LBB2_2:
0x16: {  	p0 =	seq.s32 s21, $0x0  }
0x17: {  	s22 =	simm.s32 @!p0 $0x2  }
0x18: {  	_ =	swait.ge @!p0 [sflag:s22], $0x2000  }
0x19: {  	[sflag:s22] =	ssyncset.done @!p0 $0x0  }
0x1a: {  	[sflag:s22] =	ssyncadd.s32 @!p0 $0xFFFFE000  }
0x1b: {  	_ =	swait.ge @!p0 [sflag:s22], $0x2000  }
0x1c: {  	[sflag:s22] =	ssyncset.done @!p0 $0x0  }
0x1d: {  	[sflag:s22] =	ssyncadd.s32 @!p0 $0xFFFFE000  }
0x1e: {  	s31 =	sshll.u32 s21, $0x1;
	s24 =	simm.s32 $0x0;
	_ =	swait.ge [sflag:s12], $0x2000  }
0x1f: {  	s1 =	simm.s32 $0x1;
	s25 =	simm.s32 $0x2;
	[sflag:s12] =	ssyncset.done $0x0  }
0x20: {  	s26 =	simm.s32 $0x3;
	s28 =	simm.s32 $0x4;
	[sflag:s12] =	ssyncadd.s32 $0xFFFFE000  }
0x21: {  	s29 =	simm.s32 $0x7;
	v33 =	vmov s24;
	v34 =	vmov s1;
	v35 =	vmov s25;
	s22 =	sor.u32 $0x1, s31;
	_ =	swait.ge [sflag:s12], $0x2000  }
0x22: {  	s30 =	simm.s32 $0x5;
	v36 =	vmov s26;
	v37 =	vmov s28;
	v38 =	vmov s29;
	s23 =	sshll.u32 s22, $0x8;
	[sflag:s12] =	ssyncset.done $0x0  }
0x23: {  	v39 =	vmov s30;
	v33 =	vshrl.u32 v33, $0x3;
	v38 =	vshrl.u32 v38, $0x3;
	s23 =	sand.u32 $0x3FFFFF00, s23;
	[sflag:s12] =	ssyncadd.s32 $0xFFFFE000  }
0x24: {  	v34 =	vshrl.u32 v34, $0x3;
	v35 =	vshrl.u32 v35, $0x3;
	v36 =	vshrl.u32 v36, $0x3;
	[tilespmem:s13], [sflag:$0x1] =	stream.indirect.gather [hbm4b:s4+s9], $0x40, s23, s9, $0xb8;
	[tilespmem:$0x16C00] =	vst v63  }
0x25: {  	v37 =	vshrl.u32 v37, $0x3;
	v55 =	vshrl.u32 v39, $0x3;
	v38 =	vshll.u32 v38, v1;
	s23 =	sor.u32 $0x80, s23  }
0x26: {  	v33 =	vshll.u32 v33, v1;
	v34 =	vshll.u32 v34, v1;
	v38 =	vbroadcast v38, $0x0;
	[tilespmem:s14], [sflag:$0x1] =	stream.indirect.gather [hbm4b:s4+s9], $0x40, s23, s9, $0xb8;
	[tilespmem:$0x16C00] =	vst v63  }
0x27: {  	v52 =	vshll.u32 v35, v1;
	v53 =	vshll.u32 v36, v1;
	v33 =	vbroadcast v33, $0x0;
	s23 =	simm.s32 $0x6500  }
0x28: {  	v54 =	vshll.u32 v37, v1;
	v45 =	vbroadcast v34, $0x0;
	v42 =	vadd.s32 v29, v38;
	v41 =	vld [tilespmem:s23+$0xC0]  }
0x29: {  	v36 =	vshll.u32 v55, v1;
	v52 =	vbroadcast v52, $0x0;
	v44 =	vadd.s32 v0, v33;
	s31 =	simm.s32 $0x6;
	v43 =	vld [tilespmem:s23+$0xFFFFFF00]  }
0x2a: {  	v35 =	vbroadcast v53, $0x0;
	v47 =	vadd.s32 v5, v45;
	v40 =	vmov s31;
	v46 =	vld [tilespmem:s23+$0xFFFFFF40]  }
0x2b: {  	v34 =	vbroadcast v54, $0x0;
	v49 =	vadd.s32 v9, v52;
	v40 =	vshrl.u32 v40, $0x3;
	v48 =	vld [tilespmem:s23+$0xFFFFFF80]  }
0x2c: {  	v37 =	vbroadcast v36, $0x0;
	v50 =	vadd.s32 v13, v35;
	v56 =	vshll.u32 v40, v1;
	v39 =	vld [tilespmem:s23+$0xFFFFFFC0]  }
0x2d: {  	v53 =	vadd.s32 v17, v34;
	v36 =	vbroadcast v56, $0x0;
	v51 =	vld [tilespmem:s23+$0x0];
	[tilespmem:v42+s15+$0x0] =	vst.idx.msk $0xffff, v41  }
0x2e: {  	v60 =	vadd.s32 v21, v37;
	v59 =	vld [tilespmem:s23+$0x40];
	[tilespmem:v44+s15+$0x0] =	vst.idx.msk $0xffff, v43  }
0x2f: {  	v62 =	vadd.s32 v25, v36;
	v61 =	vld [tilespmem:s23+$0x80];
	[tilespmem:v47+s15+$0x0] =	vst.idx.msk $0xffff, v46  }
0x30: {  	v58 =	vadd.s32 v30, v38;
	[tilespmem:v49+s15+$0x0] =	vst.idx.msk $0xffff, v48;
	v57 =	vld [tilespmem:s23+$0xD0]  }
0x31: {  	v63 =	vadd.s32 v6, v45;
	[tilespmem:v50+s15+$0x0] =	vst.idx.msk $0xffff, v39;
	v47 =	vld [tilespmem:s23+$0xFFFFFF50]  }
0x32: {  	v55 =	vadd.s32 v10, v52;
	[tilespmem:v53+s15+$0x0] =	vst.idx.msk $0xffff, v51;
	v54 =	vld [tilespmem:s23+$0xFFFFFF90]  }
0x33: {  	v56 =	vadd.s32 v14, v35;
	[tilespmem:v60+s15+$0x0] =	vst.idx.msk $0xffff, v59;
	v50 =	vld [tilespmem:s23+$0xFFFFFFD0]  }
0x34: {  	[tilespmem:v62+s15+$0x0] =	vst.idx.msk $0xffff, v61;
	v46 =	vadd.s32 v22, v37;
	v44 =	vld [tilespmem:s23+$0x50]  }
0x35: {  	v59 =	vadd.s32 v18, v34;
	[tilespmem:v58+s15+$0x0] =	vst.idx.msk $0xffff, v57;
	v58 =	vld [tilespmem:s23+$0x10]  }
0x36: {  	v57 =	vadd.s32 v31, v38;
	[tilespmem:v63+s15+$0x0] =	vst.idx.msk $0xffff, v47;
	v40 =	vld [tilespmem:s23+$0xE0]  }
0x37: {  	v60 =	vadd.s32 v26, v36;
	[tilespmem:v55+s15+$0x0] =	vst.idx.msk $0xffff, v54;
	v63 =	vld [tilespmem:s23+$0x90]  }
0x38: {  	v62 =	vadd.s32 v2, v33;
	v61 =	vld [tilespmem:s23+$0xFFFFFF10];
	[tilespmem:v56+s15+$0x0] =	vst.idx.msk $0xffff, v50  }
0x39: {  	v51 =	vadd.s32 v7, v45;
	[tilespmem:v46+s15+$0x0] =	vst.idx.msk $0xffff, v44;
	v50 =	vld [tilespmem:s23+$0xFFFFFF60]  }
0x3a: {  	v56 =	vadd.s32 v11, v52;
	v55 =	vld [tilespmem:s23+$0xFFFFFFA0];
	[tilespmem:v59+s15+$0x0] =	vst.idx.msk $0xffff, v58  }
0x3b: {  	v58 =	vadd.s32 v15, v35;
	[tilespmem:v57+s15+$0x0] =	vst.idx.msk $0xffff, v40;
	v57 =	vld [tilespmem:s23+$0xFFFFFFE0]  }
0x3c: {  	[tilespmem:v60+s15+$0x0] =	vst.idx.msk $0xffff, v63;
	v60 =	vadd.s32 v19, v34;
	v59 =	vld [tilespmem:s23+$0x20]  }
0x3d: {  	s25 =	simm.s32 $0x9;
	v38 =	vadd.s32 v32, v38;
	[tilespmem:v62+s15+$0x0] =	vst.idx.msk $0xffff, v61;
	v54 =	vld [tilespmem:s23+$0xF0]  }
0x3e: {  	s1 =	simm.s32 $0x8;
	v41 =	vadd.s32 v23, v37;
	v53 =	vmov s25;
	[tilespmem:v51+s15+$0x0] =	vst.idx.msk $0xffff, v50;
	v40 =	vld [tilespmem:s23+$0x60]  }
0x3f: {  	s28 =	simm.s32 $0xB;
	s29 =	simm.s32 $0xC;
	v43 =	vadd.s32 v27, v36;
	v48 =	vadd.s32 v3, v33;
	v63 =	vmov s1;
	v42 =	vld [tilespmem:s23+$0xA0];
	[tilespmem:v56+s15+$0x0] =	vst.idx.msk $0xffff, v55  }
0x40: {  	s31 =	simm.s32 $0xE;
	v44 =	vmov s28;
	v47 =	vmov s29;
	v46 =	vld [tilespmem:s23+$0xFFFFFF20];
	v39 =	vshrl.u32 v63, $0x3;
	[tilespmem:v58+s15+$0x0] =	vst.idx.msk $0xffff, v57  }
0x41: {  	s26 =	simm.s32 $0xA;
	s30 =	simm.s32 $0xD;
	v51 =	vadd.s32 v8, v45;
	v49 =	vld [tilespmem:s23+$0xFFFFFF70];
	v45 =	vshll.u32 v39, v1;
	v39 =	vmov s31;
	[tilespmem:v60+s15+$0x0] =	vst.idx.msk $0xffff, v59  }
0x42: {  	s24 =	simm.s32 $0x10;
	s25 =	simm.s32 $0xF;
	v52 =	vadd.s32 v12, v52;
	v50 =	vld [tilespmem:s23+$0xFFFFFFB0];
	[tilespmem:v38+s15+$0x0] =	vst.idx.msk $0xffff, v54;
	v54 =	vmov s26;
	v38 =	vmov s30  }
.LBB2_3:
0x43: {  	p1 =	slt.u32 s24, $0x78;
	v53 =	vshrl.u32 v53, $0x3;
	v55 =	vmov s25;
	v56 =	vld [tilespmem:s23+$0xFFFFFFF0];
	v35 =	vadd.s32 v16, v35;
	[tilespmem:v41+s15+$0x0] =	vst.idx.msk $0xffff, v40  }
0x44: {  	v40 =	vshrl.u32 v54, $0x3;
	v34 =	vadd.s32 v20, v34;
	v41 =	vshrl.u32 v55, $0x3;
	v54 =	vld [tilespmem:s23+$0x30];
	[tilespmem:v43+s15+$0x0] =	vst.idx.msk $0xffff, v42  }
0x45: {  	v37 =	vadd.s32 v24, v37;
	v42 =	vshrl.u32 v44, $0x3;
	v41 =	vshll.u32 v41, v1;
	[tilespmem:v48+s15+$0x0] =	vst.idx.msk $0xffff, v46;
	v43 =	vld [tilespmem:s23+$0x70]  }
0x46: {  	v36 =	vadd.s32 v28, v36;
	v44 =	vshrl.u32 v47, $0x3;
	v41 =	vbroadcast v41, $0x0;
	[tilespmem:v51+s15+$0x0] =	vst.idx.msk $0xffff, v49;
	v46 =	vld [tilespmem:s23+$0xB0]  }
0x47: {  	v47 =	vshll.u32 v53, v1;
	v49 =	vadd.s32 v4, v33;
	v33 =	vbroadcast v45, $0x0;
	v48 =	vld [tilespmem:s23+$0xFFFFFF30];
	[tilespmem:v52+s15+$0x0] =	vst.idx.msk $0xffff, v50;
	s23 =	sadd.s32 $0x200, s23  }
0x48: {  	v40 =	vshll.u32 v40, v1;
	v45 =	vbroadcast v47, $0x0;
	v47 =	vld [tilespmem:s23+$0xC0];
	v50 =	vadd.s32 v29, v41;
	[tilespmem:v35+s15+$0x0] =	vst.idx.msk $0xffff, v56  }
0x49: {  	v55 =	vbroadcast v40, $0x0;
	v52 =	vadd.s32 v0, v33;
	v35 =	vshll.u32 v42, v1;
	v51 =	vld [tilespmem:s23+$0xFFFFFF00];
	[tilespmem:v34+s15+$0x0] =	vst.idx.msk $0xffff, v54  }
0x4a: {  	v42 =	vadd.s32 v5, v45;
	v35 =	vbroadcast v35, $0x0;
	v34 =	vshll.u32 v44, v1;
	v40 =	vld [tilespmem:s23+$0xFFFFFF40];
	[tilespmem:v37+s15+$0x0] =	vst.idx.msk $0xffff, v43  }
0x4b: {  	v44 =	vadd.s32 v9, v55;
	v34 =	vbroadcast v34, $0x0;
	v37 =	vshrl.u32 v38, $0x3;
	v43 =	vld [tilespmem:s23+$0xFFFFFF80];
	[tilespmem:v36+s15+$0x0] =	vst.idx.msk $0xffff, v46  }
0x4c: {  	v39 =	vshrl.u32 v39, $0x3;
	v46 =	vadd.s32 v13, v35;
	v36 =	vshll.u32 v37, v1;
	v38 =	vld [tilespmem:s23+$0xFFFFFFC0];
	[tilespmem:v49+s15+$0x0] =	vst.idx.msk $0xffff, v48  }
0x4d: {  	v49 =	vadd.s32 v17, v34;
	v37 =	vbroadcast v36, $0x0;
	v36 =	vshll.u32 v39, v1;
	v48 =	vld [tilespmem:s23+$0x0];
	[tilespmem:v50+s15+$0x0] =	vst.idx.msk $0xffff, v47  }
0x4e: {  	v36 =	vbroadcast v36, $0x0;
	v47 =	vadd.s32 v30, v41;
	[tilespmem:v52+s15+$0x0] =	vst.idx.msk $0xffff, v51;
	v39 =	vld [tilespmem:s23+$0xD0]  }
0x4f: {  	[tilespmem:v42+s15+$0x0] =	vst.idx.msk $0xffff, v40;
	v40 =	vld [tilespmem:s23+$0x40];
	v42 =	vadd.s32 v21, v37  }
0x50: {  	[tilespmem:v44+s15+$0x0] =	vst.idx.msk $0xffff, v43;
	v43 =	vld [tilespmem:s23+$0x80];
	v44 =	vadd.s32 v25, v36  }
0x51: {  	v51 =	vadd.s32 v6, v45;
	v50 =	vld [tilespmem:s23+$0xFFFFFF50];
	[tilespmem:v46+s15+$0x0] =	vst.idx.msk $0xffff, v38  }
0x52: {  	v46 =	vadd.s32 v10, v55;
	v38 =	vld [tilespmem:s23+$0xFFFFFF90];
	[tilespmem:v49+s15+$0x0] =	vst.idx.msk $0xffff, v48  }
0x53: {  	v49 =	vadd.s32 v14, v35;
	v48 =	vld [tilespmem:s23+$0xFFFFFFD0];
	[tilespmem:v47+s15+$0x0] =	vst.idx.msk $0xffff, v39  }
0x54: {  	[tilespmem:v42+s15+$0x0] =	vst.idx.msk $0xffff, v40;
	v39 =	vld [tilespmem:s23+$0xE0];
	v40 =	vadd.s32 v31, v41  }
0x55: {  	v47 =	vadd.s32 v18, v34;
	v42 =	vld [tilespmem:s23+$0x10];
	[tilespmem:v44+s15+$0x0] =	vst.idx.msk $0xffff, v43  }
0x56: {  	v44 =	vadd.s32 v22, v37;
	[tilespmem:v51+s15+$0x0] =	vst.idx.msk $0xffff, v50;
	v43 =	vld [tilespmem:s23+$0x50]  }
0x57: {  	[tilespmem:v46+s15+$0x0] =	vst.idx.msk $0xffff, v38;
	v38 =	vld [tilespmem:s23+$0x90];
	v46 =	vadd.s32 v26, v36  }
0x58: {  	v51 =	vadd.s32 v2, v33;
	v50 =	vld [tilespmem:s23+$0xFFFFFF10];
	[tilespmem:v49+s15+$0x0] =	vst.idx.msk $0xffff, v48  }
0x59: {  	v49 =	vadd.s32 v7, v45;
	v48 =	vld [tilespmem:s23+$0xFFFFFF60];
	[tilespmem:v40+s15+$0x0] =	vst.idx.msk $0xffff, v39  }
0x5a: {  	[tilespmem:v47+s15+$0x0] =	vst.idx.msk $0xffff, v42;
	v39 =	vld [tilespmem:s23+$0xF0];
	v47 =	vadd.s32 v32, v41  }
0x5b: {  	v56 =	vadd.s32 v11, v55;
	v52 =	vld [tilespmem:s23+$0xFFFFFFA0];
	[tilespmem:v44+s15+$0x0] =	vst.idx.msk $0xffff, v43  }
0x5c: {  	v58 =	vadd.s32 v15, v35;
	v57 =	vld [tilespmem:s23+$0xFFFFFFE0];
	[tilespmem:v46+s15+$0x0] =	vst.idx.msk $0xffff, v38  }
0x5d: {  	v60 =	vadd.s32 v19, v34;
	[tilespmem:v51+s15+$0x0] =	vst.idx.msk $0xffff, v50;
	v59 =	vld [tilespmem:s23+$0x20]  }
.Ltmp0:
0x5e: {  	s25 =	sadd.s32 $0x1, s24;
	v41 =	vadd.s32 v23, v37;
	v38 =	vmov s24;
	[tilespmem:v49+s15+$0x0] =	vst.idx.msk $0xffff, v48;
	v40 =	vld [tilespmem:s23+$0x60];
	(pc) =	sbr.rel @p1 .LBB2_3-.Ltmp0, $4  }
0x5f: {  	s26 =	sadd.s32 $0x3, s24;
	v53 =	vmov s25;
	s25 =	sadd.s32 $0x2, s24;
	v43 =	vadd.s32 v27, v36;
	v50 =	vshrl.u32 v38, $0x3;
	v42 =	vld [tilespmem:s23+$0xA0];
	[tilespmem:v47+s15+$0x0] =	vst.idx.msk $0xffff, v39  }
0x60: {  	v54 =	vmov s25;
	s25 =	sadd.s32 $0x4, s24;
	v44 =	vmov s26;
	s26 =	sadd.s32 $0x5, s24;
	v48 =	vadd.s32 v3, v33;
	v46 =	vld [tilespmem:s23+$0xFFFFFF20];
	[tilespmem:v56+s15+$0x0] =	vst.idx.msk $0xffff, v52  }
0x61: {  	v38 =	vmov s26;
	v51 =	vadd.s32 v8, v45;
	v47 =	vmov s25;
	s25 =	sadd.s32 $0x6, s24;
	v49 =	vld [tilespmem:s23+$0xFFFFFF70];
	[tilespmem:v58+s15+$0x0] =	vst.idx.msk $0xffff, v57  }
0x62: {  	v45 =	vshll.u32 v50, v1;
	v39 =	vmov s25;
	s25 =	sadd.s32 $0x7, s24;
	s24 =	sadd.s32 $0x8, s24;
	v52 =	vadd.s32 v12, v55;
	v50 =	vld [tilespmem:s23+$0xFFFFFFB0];
	[tilespmem:v60+s15+$0x0] =	vst.idx.msk $0xffff, v59  }
0x63: {  	_ =	sdelay $0x2  }
0x64: {  	v53 =	vshrl.u32 v53, $0x3  }
0x65: {  	v55 =	vmov s25;
	v56 =	vld [tilespmem:s23+$0xFFFFFFF0];
	v35 =	vadd.s32 v16, v35;
	[tilespmem:v41+s15+$0x0] =	vst.idx.msk $0xffff, v40;
	v57 =	vshrl.u32 v54, $0x3  }
0x66: {  	v59 =	vld [tilespmem:s23+$0x30];
	v34 =	vadd.s32 v20, v34;
	v60 =	vshrl.u32 v44, $0x3;
	v58 =	vshrl.u32 v55, $0x3;
	[tilespmem:v43+s15+$0x0] =	vst.idx.msk $0xffff, v42  }
0x67: {  	v37 =	vadd.s32 v24, v37;
	v62 =	vshrl.u32 v47, $0x3;
	v61 =	vld [tilespmem:s23+$0x70];
	v41 =	vshll.u32 v58, v1;
	[tilespmem:v48+s15+$0x0] =	vst.idx.msk $0xffff, v46  }
0x68: {  	v36 =	vadd.s32 v28, v36;
	v45 =	vbroadcast v45, $0x0;
	v63 =	vld [tilespmem:s23+$0xB0];
	v41 =	vbroadcast v41, $0x0;
	[tilespmem:v51+s15+$0x0] =	vst.idx.msk $0xffff, v49  }
0x69: {  	v33 =	vadd.s32 v4, v33;
	s25 =	sadd.s32 $0x200, s23;
	v38 =	vshrl.u32 v38, $0x3;
	v55 =	vshll.u32 v53, v1;
	v48 =	vld [tilespmem:s23+$0xFFFFFF30];
	[tilespmem:v52+s15+$0x0] =	vst.idx.msk $0xffff, v50  }
0x6a: {  	v40 =	vshll.u32 v57, v1;
	v47 =	vbroadcast v55, $0x0;
	v49 =	vld [tilespmem:s25+$0xC0];
	v50 =	vadd.s32 v29, v41;
	[tilespmem:v35+s15+$0x0] =	vst.idx.msk $0xffff, v56  }
0x6b: {  	v42 =	vshll.u32 v60, v1;
	v40 =	vbroadcast v40, $0x0;
	v35 =	vld [tilespmem:s25+$0xFFFFFF00];
	v56 =	vadd.s32 v0, v45;
	[tilespmem:v34+s15+$0x0] =	vst.idx.msk $0xffff, v59  }
0x6c: {  	v57 =	vld [tilespmem:s25+$0xFFFFFF40];
	v44 =	vshll.u32 v62, v1;
	v42 =	vbroadcast v42, $0x0;
	v58 =	vadd.s32 v5, v47;
	[tilespmem:v37+s15+$0x0] =	vst.idx.msk $0xffff, v61  }
0x6d: {  	v38 =	vshll.u32 v38, v1;
	v44 =	vbroadcast v44, $0x0;
	v60 =	vadd.s32 v9, v40;
	v59 =	vld [tilespmem:s25+$0xFFFFFF80];
	[tilespmem:v36+s15+$0x0] =	vst.idx.msk $0xffff, v63  }
0x6e: {  	v38 =	vbroadcast v38, $0x0;
	v62 =	vadd.s32 v13, v42;
	v61 =	vld [tilespmem:s25+$0xFFFFFFC0];
	[tilespmem:v33+s15+$0x0] =	vst.idx.msk $0xffff, v48  }
0x6f: {  	v39 =	vshrl.u32 v39, $0x3;
	v63 =	vadd.s32 v17, v44;
	v33 =	vld [tilespmem:s25+$0x0];
	[tilespmem:v50+s15+$0x0] =	vst.idx.msk $0xffff, v49  }
0x70: {  	v39 =	vshll.u32 v39, v1;
	v34 =	vld [tilespmem:s25+$0x40];
	[tilespmem:v56+s15+$0x0] =	vst.idx.msk $0xffff, v35;
	v56 =	vadd.s32 v21, v38  }
0x71: {  	[tilespmem:v58+s15+$0x0] =	vst.idx.msk $0xffff, v57;
	v35 =	vbroadcast v39, $0x0;
	v49 =	vadd.s32 v30, v41;
	v39 =	vld [tilespmem:s25+$0xD0]  }
0x72: {  	[tilespmem:v60+s15+$0x0] =	vst.idx.msk $0xffff, v59;
	v59 =	vld [tilespmem:s25+$0xFFFFFF50];
	v60 =	vadd.s32 v6, v47  }
0x73: {  	v57 =	vld [tilespmem:s25+$0x80];
	[tilespmem:v62+s15+$0x0] =	vst.idx.msk $0xffff, v61;
	v58 =	vadd.s32 v25, v35  }
0x74: {  	v61 =	vld [tilespmem:s25+$0xFFFFFF90];
	v62 =	vadd.s32 v10, v40;
	[tilespmem:v63+s15+$0x0] =	vst.idx.msk $0xffff, v33  }
0x75: {  	v33 =	vld [tilespmem:s25+$0xFFFFFFD0];
	v63 =	vadd.s32 v14, v42;
	[tilespmem:v56+s15+$0x0] =	vst.idx.msk $0xffff, v34  }
0x76: {  	v56 =	vadd.s32 v18, v44;
	[tilespmem:v49+s15+$0x0] =	vst.idx.msk $0xffff, v39;
	v49 =	vld [tilespmem:s25+$0x10]  }
0x77: {  	[tilespmem:v60+s15+$0x0] =	vst.idx.msk $0xffff, v59;
	v39 =	vadd.s32 v31, v41;
	v34 =	vld [tilespmem:s25+$0xE0]  }
0x78: {  	[tilespmem:v58+s15+$0x0] =	vst.idx.msk $0xffff, v57;
	v57 =	vld [tilespmem:s25+$0x50];
	v58 =	vadd.s32 v22, v38  }
0x79: {  	[tilespmem:v62+s15+$0x0] =	vst.idx.msk $0xffff, v61;
	v61 =	vld [tilespmem:s25+$0xFFFFFF10];
	v62 =	vadd.s32 v2, v45  }
0x7a: {  	v60 =	vadd.s32 v26, v35;
	v59 =	vld [tilespmem:s25+$0x90];
	[tilespmem:v63+s15+$0x0] =	vst.idx.msk $0xffff, v33  }
0x7b: {  	v55 =	vadd.s32 v11, v40;
	v54 =	vadd.s32 v32, v41;
	v41 =	vld [tilespmem:s25+$0xFFFFFFA0];
	[tilespmem:v56+s15+$0x0] =	vst.idx.msk $0xffff, v49  }
0x7c: {  	v53 =	vadd.s32 v7, v47;
	v63 =	vld [tilespmem:s25+$0xFFFFFF60];
	[tilespmem:v39+s15+$0x0] =	vst.idx.msk $0xffff, v34  }
0x7d: {  	v56 =	vld [tilespmem:s25+$0xFFFFFFE0];
	[tilespmem:v58+s15+$0x0] =	vst.idx.msk $0xffff, v57;
	v57 =	vadd.s32 v15, v42  }
0x7e: {  	[tilespmem:v62+s15+$0x0] =	vst.idx.msk $0xffff, v61;
	v34 =	vld [tilespmem:s25+$0xF0]  }
0x7f: {  	v58 =	vld [tilespmem:s25+$0x20];
	[tilespmem:v60+s15+$0x0] =	vst.idx.msk $0xffff, v59;
	v59 =	vadd.s32 v19, v44  }
0x80: {  	v61 =	vadd.s32 v23, v38;
	[tilespmem:v55+s15+$0x0] =	vst.idx.msk $0xffff, v41;
	v60 =	vld [tilespmem:s25+$0x60]  }
0x81: {  	[tilespmem:v53+s15+$0x0] =	vst.idx.msk $0xffff, v63;
	v63 =	vadd.s32 v27, v35;
	v62 =	vld [tilespmem:s25+$0xA0]  }
0x82: {  	v47 =	vadd.s32 v8, v47;
	v55 =	vld [tilespmem:s25+$0xFFFFFF70];
	[tilespmem:v57+s15+$0x0] =	vst.idx.msk $0xffff, v56  }
0x83: {  	v53 =	vld [tilespmem:s25+$0xFFFFFF20];
	[tilespmem:v54+s15+$0x0] =	vst.idx.msk $0xffff, v34;
	v54 =	vadd.s32 v3, v45  }
0x84: {  	v40 =	vadd.s32 v12, v40;
	v56 =	vld [tilespmem:s25+$0xFFFFFFB0];
	[tilespmem:v59+s15+$0x0] =	vst.idx.msk $0xffff, v58  }
0x85: {  	v42 =	vadd.s32 v16, v42;
	v57 =	vld [tilespmem:s25+$0xFFFFFFF0];
	[tilespmem:v61+s15+$0x0] =	vst.idx.msk $0xffff, v60  }
0x86: {  	v59 =	vadd.s32 v20, v44;
	v58 =	vld [tilespmem:s25+$0x30];
	[tilespmem:v63+s15+$0x0] =	vst.idx.msk $0xffff, v62  }
0x87: {  	v38 =	vadd.s32 v24, v38;
	v60 =	vld [tilespmem:s25+$0x70];
	[tilespmem:v47+s15+$0x0] =	vst.idx.msk $0xffff, v55  }
0x88: {  	v35 =	vadd.s32 v28, v35;
	v61 =	vld [tilespmem:s25+$0xB0];
	[tilespmem:v54+s15+$0x0] =	vst.idx.msk $0xffff, v53  }
0x89: {  	s26 =	sshll.u32 s21, $0x2;
	v63 =	vadd.s32 v4, v45;
	[tilespmem:v40+s15+$0x0] =	vst.idx.msk $0xffff, v56;
	v62 =	vld [tilespmem:s25+$0xFFFFFF30]  }
0x8a: {  	s23 =	sadd.s32 s5, s26;
	[tilespmem:v42+s15+$0x0] =	vst.idx.msk $0xffff, v57  }
0x8b: {  	s24 =	sshll.u32 s23, $0x7;
	[tilespmem:v59+s15+$0x0] =	vst.idx.msk $0xffff, v58  }
0x8c: {  	s1 =	sshll.u32 s23, $0xA;
	s23 =	sand.u32 $0x3E00, s24;
	[tilespmem:v38+s15+$0x0] =	vst.idx.msk $0xffff, v60  }
0x8d: {  	s24 =	sand.u32 $0xFFE0000, s1;
	s26 =	sadd.s32 s2, s23;
	[tilespmem:v35+s15+$0x0] =	vst.idx.msk $0xffff, v61  }
0x8e: {  	s28 =	sadd.s32 s24, s26;
	s26 =	simm.s32 $0xE400;
	s25 =	simm.s32 $0x0;
	[tilespmem:v63+s15+$0x0] =	vst.idx.msk $0xffff, v62  }
0x8f: {  	[hbm4b:s28+s25] =	stream.linear.scatter [tilespmem:s26], [sflag:$0x2], $0x80, $0x38;
	[tilespmem:$0x16C00] =	vst v63  }
0x90: {  	s1 =	simm.s32 $0xE488;
	s29 =	sadd.s32 $0x10, s28  }
0x91: {  	[hbm4b:s29+s25] =	stream.linear.scatter [tilespmem:s1], [sflag:$0x2], $0x80, $0x38;
	[tilespmem:$0x16C00] =	vst v63  }
0x92: {  	s1 =	simm.s32 $0xE510;
	s29 =	sadd.s32 $0x20, s28  }
0x93: {  	[hbm4b:s29+s25] =	stream.linear.scatter [tilespmem:s1], [sflag:$0x2], $0x80, $0x38;
	[tilespmem:$0x16C00] =	vst v63  }
0x94: {  	s1 =	simm.s32 $0xE598;
	s29 =	sadd.s32 $0x30, s28  }
0x95: {  	[hbm4b:s29+s25] =	stream.linear.scatter [tilespmem:s1], [sflag:$0x2], $0x80, $0x38;
	[tilespmem:$0x16C00] =	vst v63  }
0x96: {  	s1 =	simm.s32 $0xE620;
	s29 =	sadd.s32 $0x40, s28  }
0x97: {  	[hbm4b:s29+s25] =	stream.linear.scatter [tilespmem:s1], [sflag:$0x2], $0x80, $0x38;
	[tilespmem:$0x16C00] =	vst v63  }
0x98: {  	s30 =	simm.s32 $0xE7B8;
	s1 =	simm.s32 $0xE6A8;
	s29 =	sadd.s32 $0x50, s28  }
0x99: {  	[hbm4b:s29+s25] =	stream.linear.scatter [tilespmem:s1], [sflag:$0x2], $0x80, $0x38;
	[tilespmem:$0x16C00] =	vst v63  }
0x9a: {  	s31 =	sadd.s32 $0x70, s28;
	s1 =	simm.s32 $0xE730;
	s29 =	sadd.s32 $0x60, s28  }
0x9b: {  	[hbm4b:s29+s25] =	stream.linear.scatter [tilespmem:s1], [sflag:$0x2], $0x80, $0x38;
	[tilespmem:$0x16C00] =	vst v63  }
0x9c: {  	s26 =	simm.s32 $0x440;
	s28 =	sadd.s32 $0x4000, s28;
	s29 =	simm.s32 $0x2200  }
.LBB2_5:
0x9d: {  	[hbm4b:s31+s25] =	stream.linear.scatter [tilespmem:s30], [sflag:$0x2], $0x80, $0x38;
	[tilespmem:$0x16C00] =	vst v63  }
0x9e: {  	s30 =	smov.u32 s26;
	s26 =	smov.u32 s29  }
0x9f: {  	s1 =	sadd.s32 $0x1100, s29;
	s26 =	sshra.s32 s26, $0x2;
	s31 =	sadd.s32 $0xE400, s30  }
0xa0: {  	[hbm4b:s28+s25] =	stream.linear.scatter [tilespmem:s31], [sflag:$0x2], $0x80, $0x38;
	[tilespmem:$0x16C00] =	vst v63  }
0xa1: {  	p1 =	sne.s32 s29, $0x7700;
	s29 =	sadd.s32 $0xE488, s30;
	s31 =	sadd.s32 $0x10, s28  }
0xa2: {  	[hbm4b:s31+s25] =	stream.linear.scatter [tilespmem:s29], [sflag:$0x2], $0x80, $0x38;
	[tilespmem:$0x16C00] =	vst v63  }
0xa3: {  	s29 =	sadd.s32 $0xE510, s30;
	s31 =	sadd.s32 $0x20, s28  }
0xa4: {  	[hbm4b:s31+s25] =	stream.linear.scatter [tilespmem:s29], [sflag:$0x2], $0x80, $0x38;
	[tilespmem:$0x16C00] =	vst v63  }
0xa5: {  	s29 =	sadd.s32 $0xE598, s30;
	s31 =	sadd.s32 $0x30, s28  }
0xa6: {  	[hbm4b:s31+s25] =	stream.linear.scatter [tilespmem:s29], [sflag:$0x2], $0x80, $0x38;
	[tilespmem:$0x16C00] =	vst v63  }
0xa7: {  	s29 =	sadd.s32 $0xE620, s30;
	s31 =	sadd.s32 $0x40, s28  }
0xa8: {  	[hbm4b:s31+s25] =	stream.linear.scatter [tilespmem:s29], [sflag:$0x2], $0x80, $0x38;
	[tilespmem:$0x16C00] =	vst v63  }
.Ltmp1:
0xa9: {  	s29 =	sadd.s32 $0xE6A8, s30;
	s31 =	sadd.s32 $0x50, s28;
	(pc) =	sbr.rel @p1 .LBB2_5-.Ltmp1, $4  }
0xaa: {  	[hbm4b:s31+s25] =	stream.linear.scatter [tilespmem:s29], [sflag:$0x2], $0x80, $0x38;
	[tilespmem:$0x16C00] =	vst v63  }
0xab: {  	s29 =	sadd.s32 $0xE730, s30;
	s31 =	sadd.s32 $0x60, s28;
	s30 =	sadd.s32 $0xE7B8, s30  }
0xac: {  	[hbm4b:s31+s25] =	stream.linear.scatter [tilespmem:s29], [sflag:$0x2], $0x80, $0x38;
	[tilespmem:$0x16C00] =	vst v63  }
0xad: {  	s31 =	sadd.s32 $0x70, s28;
	s28 =	sadd.s32 $0x4000, s28;
	s29 =	smov.u32 s1  }
0xae: {  	[hbm4b:s31+s25] =	stream.linear.scatter [tilespmem:s30], [sflag:$0x2], $0x80, $0x38;
	[tilespmem:$0x16C00] =	vst v63  }
0xaf: {  	s1 =	sadd.s32 $0xE400, s26  }
0xb0: {  	[hbm4b:s28+s25] =	stream.linear.scatter [tilespmem:s1], [sflag:$0x2], $0x80, $0x38;
	[tilespmem:$0x16C00] =	vst v63  }
0xb1: {  	s31 =	sadd.s32 $0xE488, s26;
	s29 =	sadd.s32 $0x10, s28  }
0xb2: {  	[hbm4b:s29+s25] =	stream.linear.scatter [tilespmem:s31], [sflag:$0x2], $0x80, $0x38;
	[tilespmem:$0x16C00] =	vst v63  }
0xb3: {  	s30 =	sadd.s32 $0xE510, s26;
	s31 =	sadd.s32 $0x20, s28  }
0xb4: {  	[hbm4b:s31+s25] =	stream.linear.scatter [tilespmem:s30], [sflag:$0x2], $0x80, $0x38;
	[tilespmem:$0x16C00] =	vst v63  }
0xb5: {  	s30 =	sadd.s32 $0xE598, s26;
	s31 =	sadd.s32 $0x30, s28  }
0xb6: {  	[hbm4b:s31+s25] =	stream.linear.scatter [tilespmem:s30], [sflag:$0x2], $0x80, $0x38;
	[tilespmem:$0x16C00] =	vst v63  }
0xb7: {  	s30 =	sadd.s32 $0xE620, s26;
	s31 =	sadd.s32 $0x40, s28  }
0xb8: {  	[hbm4b:s31+s25] =	stream.linear.scatter [tilespmem:s30], [sflag:$0x2], $0x80, $0x38;
	[tilespmem:$0x16C00] =	vst v63  }
0xb9: {  	s30 =	sadd.s32 $0xE6A8, s26;
	s31 =	sadd.s32 $0x50, s28  }
0xba: {  	[hbm4b:s31+s25] =	stream.linear.scatter [tilespmem:s30], [sflag:$0x2], $0x80, $0x38;
	[tilespmem:$0x16C00] =	vst v63  }
0xbb: {  	s30 =	sadd.s32 $0xE730, s26;
	s31 =	sadd.s32 $0x60, s28  }
0xbc: {  	[hbm4b:s31+s25] =	stream.linear.scatter [tilespmem:s30], [sflag:$0x2], $0x80, $0x38;
	[tilespmem:$0x16C00] =	vst v63  }
0xbd: {  	v34 =	vmov s25;
	s30 =	simm.s32 $0x1  }
0xbe: {  	v34 =	vshrl.u32 v34, $0x3;
	s31 =	simm.s32 $0x2;
	v33 =	vmov s30;
	s30 =	simm.s32 $0x3  }
0xbf: {  	v34 =	vshll.u32 v34, v1;
	v35 =	vmov s31;
	s31 =	simm.s32 $0x4;
	v36 =	vmov s30  }
0xc0: {  	s30 =	simm.s32 $0x7;
	v37 =	vmov s31;
	s31 =	simm.s32 $0x5;
	v41 =	vshrl.u32 v33, $0x3;
	v35 =	vshrl.u32 v35, $0x3  }
0xc1: {  	v33 =	vbroadcast v34, $0x0;
	v38 =	vmov s30;
	v39 =	vmov s31  }
0xc2: {  	s28 =	sadd.s32 $0x70, s28;
	s30 =	simm.s32 $0x6;
	s31 =	sadd.s32 $0xE7B8, s26;
	v36 =	vshrl.u32 v36, $0x3;
	v37 =	vshrl.u32 v37, $0x3;
	v61 =	vshll.u32 v41, v1  }
0xc3: {  	v62 =	vshll.u32 v35, v1;
	v38 =	vshrl.u32 v38, $0x3;
	v40 =	vmov s30;
	[hbm4b:s28+s25] =	stream.linear.scatter [tilespmem:s31], [sflag:$0x2], $0x80, $0x38;
	[tilespmem:$0x16C00] =	vst v63  }
0xc4: {  	s25 =	simm.s32 $0x8500;
	v45 =	vbroadcast v61, $0x0;
	v44 =	vadd.s32 v0, v33;
	v60 =	vshll.u32 v38, v1  }
0xc5: {  	v52 =	vbroadcast v62, $0x0;
	v53 =	vshll.u32 v36, v1;
	v43 =	vld [tilespmem:s25+$0xFFFFFF00];
	v38 =	vbroadcast v60, $0x0  }
0xc6: {  	v54 =	vshll.u32 v37, v1;
	v55 =	vshrl.u32 v39, $0x3;
	v46 =	vld [tilespmem:s25+$0xFFFFFF40];
	v47 =	vadd.s32 v5, v45  }
0xc7: {  	v63 =	vld [tilespmem:s25+$0xC0];
	v35 =	vbroadcast v53, $0x0;
	v34 =	vbroadcast v54, $0x0;
	v42 =	vadd.s32 v29, v38  }
0xc8: {  	v48 =	vld [tilespmem:s25+$0xFFFFFF80];
	v36 =	vshll.u32 v55, v1;
	v40 =	vshrl.u32 v40, $0x3;
	v49 =	vadd.s32 v9, v52  }
0xc9: {  	v39 =	vld [tilespmem:s25+$0xFFFFFFC0];
	v37 =	vbroadcast v36, $0x0;
	v56 =	vshll.u32 v40, v1;
	v50 =	vadd.s32 v13, v35  }
0xca: {  	v51 =	vld [tilespmem:s25+$0x0];
	v53 =	vadd.s32 v17, v34;
	v36 =	vbroadcast v56, $0x0;
	[tilespmem:v44+s16+$0x0] =	vst.idx.msk $0xffff, v43  }
0xcb: {  	v59 =	vld [tilespmem:s25+$0x40];
	v60 =	vadd.s32 v21, v37;
	[tilespmem:v47+s16+$0x0] =	vst.idx.msk $0xffff, v46  }
0xcc: {  	v61 =	vld [tilespmem:s25+$0x80];
	v62 =	vadd.s32 v25, v36;
	[tilespmem:v42+s16+$0x0] =	vst.idx.msk $0xffff, v63  }
0xcd: {  	v58 =	vadd.s32 v30, v38;
	[tilespmem:v49+s16+$0x0] =	vst.idx.msk $0xffff, v48;
	v57 =	vld [tilespmem:s25+$0xD0]  }
0xce: {  	v55 =	vadd.s32 v10, v52;
	[tilespmem:v50+s16+$0x0] =	vst.idx.msk $0xffff, v39;
	v54 =	vld [tilespmem:s25+$0xFFFFFF90]  }
0xcf: {  	v47 =	vld [tilespmem:s25+$0xFFFFFF50];
	[tilespmem:v53+s16+$0x0] =	vst.idx.msk $0xffff, v51;
	v63 =	vadd.s32 v6, v45  }
0xd0: {  	v56 =	vadd.s32 v14, v35;
	v50 =	vld [tilespmem:s25+$0xFFFFFFD0];
	[tilespmem:v60+s16+$0x0] =	vst.idx.msk $0xffff, v59  }
0xd1: {  	v46 =	vadd.s32 v22, v37;
	[tilespmem:v62+s16+$0x0] =	vst.idx.msk $0xffff, v61;
	v44 =	vld [tilespmem:s25+$0x50]  }
0xd2: {  	v59 =	vadd.s32 v18, v34;
	[tilespmem:v58+s16+$0x0] =	vst.idx.msk $0xffff, v57;
	v58 =	vld [tilespmem:s25+$0x10]  }
0xd3: {  	[tilespmem:v55+s16+$0x0] =	vst.idx.msk $0xffff, v54;
	v57 =	vadd.s32 v31, v38;
	v40 =	vld [tilespmem:s25+$0xE0]  }
0xd4: {  	v61 =	vld [tilespmem:s25+$0xFFFFFF10];
	v62 =	vadd.s32 v2, v33;
	[tilespmem:v63+s16+$0x0] =	vst.idx.msk $0xffff, v47  }
0xd5: {  	v60 =	vadd.s32 v26, v36;
	v63 =	vld [tilespmem:s25+$0x90];
	[tilespmem:v56+s16+$0x0] =	vst.idx.msk $0xffff, v50  }
0xd6: {  	v55 =	vld [tilespmem:s25+$0xFFFFFFA0];
	v56 =	vadd.s32 v11, v52;
	[tilespmem:v46+s16+$0x0] =	vst.idx.msk $0xffff, v44  }
0xd7: {  	v51 =	vadd.s32 v7, v45;
	v50 =	vld [tilespmem:s25+$0xFFFFFF60];
	[tilespmem:v59+s16+$0x0] =	vst.idx.msk $0xffff, v58  }
0xd8: {  	v58 =	vadd.s32 v15, v35;
	[tilespmem:v57+s16+$0x0] =	vst.idx.msk $0xffff, v40;
	v57 =	vld [tilespmem:s25+$0xFFFFFFE0]  }
0xd9: {  	v38 =	vadd.s32 v32, v38;
	[tilespmem:v62+s16+$0x0] =	vst.idx.msk $0xffff, v61;
	v54 =	vld [tilespmem:s25+$0xF0]  }
0xda: {  	s29 =	simm.s32 $0x9;
	[tilespmem:v60+s16+$0x0] =	vst.idx.msk $0xffff, v63;
	v60 =	vadd.s32 v19, v34;
	v59 =	vld [tilespmem:s25+$0x20]  }
0xdb: {  	v41 =	vadd.s32 v23, v37;
	v53 =	vmov s29;
	s29 =	simm.s32 $0xC;
	[tilespmem:v56+s16+$0x0] =	vst.idx.msk $0xffff, v55;
	v40 =	vld [tilespmem:s25+$0x60]  }
0xdc: {  	s26 =	simm.s32 $0x8;
	s31 =	simm.s32 $0xB;
	v43 =	vadd.s32 v27, v36;
	v48 =	vadd.s32 v3, v33;
	v47 =	vmov s29;
	[tilespmem:v51+s16+$0x0] =	vst.idx.msk $0xffff, v50;
	v42 =	vld [tilespmem:s25+$0xA0]  }
0xdd: {  	s30 =	simm.s32 $0xA;
	v52 =	vadd.s32 v12, v52;
	v44 =	vmov s31;
	v46 =	vld [tilespmem:s25+$0xFFFFFF20];
	v63 =	vmov s26;
	[tilespmem:v58+s16+$0x0] =	vst.idx.msk $0xffff, v57  }
0xde: {  	s31 =	simm.s32 $0xE;
	v39 =	vshrl.u32 v63, $0x3;
	v51 =	vadd.s32 v8, v45;
	v49 =	vld [tilespmem:s25+$0xFFFFFF70];
	[tilespmem:v38+s16+$0x0] =	vst.idx.msk $0xffff, v54;
	v54 =	vmov s30;
	s30 =	simm.s32 $0xD  }
0xdf: {  	s28 =	simm.s32 $0xF;
	s26 =	simm.s32 $0x10;
	v50 =	vld [tilespmem:s25+$0xFFFFFFB0];
	v45 =	vshll.u32 v39, v1;
	v39 =	vmov s31;
	[tilespmem:v60+s16+$0x0] =	vst.idx.msk $0xffff, v59;
	v38 =	vmov s30  }
.LBB2_7:
0xe0: {  	p1 =	slt.u32 s26, $0x78;
	v53 =	vshrl.u32 v53, $0x3;
	v55 =	vmov s28;
	v56 =	vld [tilespmem:s25+$0xFFFFFFF0];
	v35 =	vadd.s32 v16, v35;
	[tilespmem:v41+s16+$0x0] =	vst.idx.msk $0xffff, v40  }
0xe1: {  	v40 =	vshrl.u32 v54, $0x3;
	v34 =	vadd.s32 v20, v34;
	v41 =	vshrl.u32 v55, $0x3;
	v54 =	vld [tilespmem:s25+$0x30];
	[tilespmem:v43+s16+$0x0] =	vst.idx.msk $0xffff, v42  }
0xe2: {  	v37 =	vadd.s32 v24, v37;
	v42 =	vshrl.u32 v44, $0x3;
	v41 =	vshll.u32 v41, v1;
	[tilespmem:v48+s16+$0x0] =	vst.idx.msk $0xffff, v46;
	v43 =	vld [tilespmem:s25+$0x70]  }
0xe3: {  	v36 =	vadd.s32 v28, v36;
	v44 =	vshrl.u32 v47, $0x3;
	v41 =	vbroadcast v41, $0x0;
	[tilespmem:v51+s16+$0x0] =	vst.idx.msk $0xffff, v49;
	v46 =	vld [tilespmem:s25+$0xB0]  }
0xe4: {  	v47 =	vshll.u32 v53, v1;
	v49 =	vadd.s32 v4, v33;
	v33 =	vbroadcast v45, $0x0;
	v48 =	vld [tilespmem:s25+$0xFFFFFF30];
	[tilespmem:v52+s16+$0x0] =	vst.idx.msk $0xffff, v50;
	s25 =	sadd.s32 $0x200, s25  }
0xe5: {  	v40 =	vshll.u32 v40, v1;
	v45 =	vbroadcast v47, $0x0;
	v47 =	vld [tilespmem:s25+$0xC0];
	v50 =	vadd.s32 v29, v41;
	[tilespmem:v35+s16+$0x0] =	vst.idx.msk $0xffff, v56  }
0xe6: {  	v55 =	vbroadcast v40, $0x0;
	v52 =	vadd.s32 v0, v33;
	v35 =	vshll.u32 v42, v1;
	v51 =	vld [tilespmem:s25+$0xFFFFFF00];
	[tilespmem:v34+s16+$0x0] =	vst.idx.msk $0xffff, v54  }
0xe7: {  	v42 =	vadd.s32 v5, v45;
	v35 =	vbroadcast v35, $0x0;
	v34 =	vshll.u32 v44, v1;
	v40 =	vld [tilespmem:s25+$0xFFFFFF40];
	[tilespmem:v37+s16+$0x0] =	vst.idx.msk $0xffff, v43  }
0xe8: {  	v44 =	vadd.s32 v9, v55;
	v34 =	vbroadcast v34, $0x0;
	v37 =	vshrl.u32 v38, $0x3;
	v43 =	vld [tilespmem:s25+$0xFFFFFF80];
	[tilespmem:v36+s16+$0x0] =	vst.idx.msk $0xffff, v46  }
0xe9: {  	v39 =	vshrl.u32 v39, $0x3;
	v46 =	vadd.s32 v13, v35;
	v36 =	vshll.u32 v37, v1;
	v38 =	vld [tilespmem:s25+$0xFFFFFFC0];
	[tilespmem:v49+s16+$0x0] =	vst.idx.msk $0xffff, v48  }
0xea: {  	v49 =	vadd.s32 v17, v34;
	v37 =	vbroadcast v36, $0x0;
	v36 =	vshll.u32 v39, v1;
	v48 =	vld [tilespmem:s25+$0x0];
	[tilespmem:v50+s16+$0x0] =	vst.idx.msk $0xffff, v47  }
0xeb: {  	v36 =	vbroadcast v36, $0x0;
	v47 =	vadd.s32 v30, v41;
	[tilespmem:v52+s16+$0x0] =	vst.idx.msk $0xffff, v51;
	v39 =	vld [tilespmem:s25+$0xD0]  }
0xec: {  	[tilespmem:v42+s16+$0x0] =	vst.idx.msk $0xffff, v40;
	v40 =	vld [tilespmem:s25+$0x40];
	v42 =	vadd.s32 v21, v37  }
0xed: {  	[tilespmem:v44+s16+$0x0] =	vst.idx.msk $0xffff, v43;
	v43 =	vld [tilespmem:s25+$0x80];
	v44 =	vadd.s32 v25, v36  }
0xee: {  	v51 =	vadd.s32 v6, v45;
	v50 =	vld [tilespmem:s25+$0xFFFFFF50];
	[tilespmem:v46+s16+$0x0] =	vst.idx.msk $0xffff, v38  }
0xef: {  	v46 =	vadd.s32 v10, v55;
	v38 =	vld [tilespmem:s25+$0xFFFFFF90];
	[tilespmem:v49+s16+$0x0] =	vst.idx.msk $0xffff, v48  }
0xf0: {  	v49 =	vadd.s32 v14, v35;
	v48 =	vld [tilespmem:s25+$0xFFFFFFD0];
	[tilespmem:v47+s16+$0x0] =	vst.idx.msk $0xffff, v39  }
0xf1: {  	[tilespmem:v42+s16+$0x0] =	vst.idx.msk $0xffff, v40;
	v39 =	vld [tilespmem:s25+$0xE0];
	v40 =	vadd.s32 v31, v41  }
0xf2: {  	v47 =	vadd.s32 v18, v34;
	v42 =	vld [tilespmem:s25+$0x10];
	[tilespmem:v44+s16+$0x0] =	vst.idx.msk $0xffff, v43  }
0xf3: {  	v44 =	vadd.s32 v22, v37;
	[tilespmem:v51+s16+$0x0] =	vst.idx.msk $0xffff, v50;
	v43 =	vld [tilespmem:s25+$0x50]  }
0xf4: {  	[tilespmem:v46+s16+$0x0] =	vst.idx.msk $0xffff, v38;
	v38 =	vld [tilespmem:s25+$0x90];
	v46 =	vadd.s32 v26, v36  }
0xf5: {  	v51 =	vadd.s32 v2, v33;
	v50 =	vld [tilespmem:s25+$0xFFFFFF10];
	[tilespmem:v49+s16+$0x0] =	vst.idx.msk $0xffff, v48  }
0xf6: {  	v49 =	vadd.s32 v7, v45;
	v48 =	vld [tilespmem:s25+$0xFFFFFF60];
	[tilespmem:v40+s16+$0x0] =	vst.idx.msk $0xffff, v39  }
0xf7: {  	[tilespmem:v47+s16+$0x0] =	vst.idx.msk $0xffff, v42;
	v39 =	vld [tilespmem:s25+$0xF0];
	v47 =	vadd.s32 v32, v41  }
0xf8: {  	v56 =	vadd.s32 v11, v55;
	v52 =	vld [tilespmem:s25+$0xFFFFFFA0];
	[tilespmem:v44+s16+$0x0] =	vst.idx.msk $0xffff, v43  }
0xf9: {  	v58 =	vadd.s32 v15, v35;
	v57 =	vld [tilespmem:s25+$0xFFFFFFE0];
	[tilespmem:v46+s16+$0x0] =	vst.idx.msk $0xffff, v38  }
0xfa: {  	v60 =	vadd.s32 v19, v34;
	[tilespmem:v51+s16+$0x0] =	vst.idx.msk $0xffff, v50;
	v59 =	vld [tilespmem:s25+$0x20]  }
.Ltmp2:
0xfb: {  	s1 =	sadd.s32 $0x1, s26;
	v41 =	vadd.s32 v23, v37;
	v38 =	vmov s26;
	[tilespmem:v49+s16+$0x0] =	vst.idx.msk $0xffff, v48;
	v40 =	vld [tilespmem:s25+$0x60];
	(pc) =	sbr.rel @p1 .LBB2_7-.Ltmp2, $4  }
0xfc: {  	s28 =	sadd.s32 $0x3, s26;
	v53 =	vmov s1;
	s1 =	sadd.s32 $0x2, s26;
	v43 =	vadd.s32 v27, v36;
	v50 =	vshrl.u32 v38, $0x3;
	v42 =	vld [tilespmem:s25+$0xA0];
	[tilespmem:v47+s16+$0x0] =	vst.idx.msk $0xffff, v39  }
0xfd: {  	v54 =	vmov s1;
	s1 =	sadd.s32 $0x4, s26;
	v44 =	vmov s28;
	s28 =	sadd.s32 $0x5, s26;
	v48 =	vadd.s32 v3, v33;
	v46 =	vld [tilespmem:s25+$0xFFFFFF20];
	[tilespmem:v56+s16+$0x0] =	vst.idx.msk $0xffff, v52  }
0xfe: {  	v38 =	vmov s28;
	v51 =	vadd.s32 v8, v45;
	v47 =	vmov s1;
	s1 =	sadd.s32 $0x6, s26;
	v49 =	vld [tilespmem:s25+$0xFFFFFF70];
	[tilespmem:v58+s16+$0x0] =	vst.idx.msk $0xffff, v57  }
0xff: {  	s28 =	sadd.s32 $0x7, s26;
	v45 =	vshll.u32 v50, v1;
	s26 =	sadd.s32 $0x8, s26;
	v39 =	vmov s1;
	v52 =	vadd.s32 v12, v55;
	v50 =	vld [tilespmem:s25+$0xFFFFFFB0];
	[tilespmem:v60+s16+$0x0] =	vst.idx.msk $0xffff, v59  }
0x100: {  	_ =	sdelay $0x2  }
0x101: {  	v53 =	vshrl.u32 v53, $0x3  }
0x102: {  	v55 =	vmov s28;
	v56 =	vld [tilespmem:s25+$0xFFFFFFF0];
	v35 =	vadd.s32 v16, v35;
	[tilespmem:v41+s16+$0x0] =	vst.idx.msk $0xffff, v40;
	v57 =	vshrl.u32 v54, $0x3  }
0x103: {  	v59 =	vld [tilespmem:s25+$0x30];
	v34 =	vadd.s32 v20, v34;
	v60 =	vshrl.u32 v44, $0x3;
	v58 =	vshrl.u32 v55, $0x3;
	[tilespmem:v43+s16+$0x0] =	vst.idx.msk $0xffff, v42  }
0x104: {  	v37 =	vadd.s32 v24, v37;
	v62 =	vshrl.u32 v47, $0x3;
	v61 =	vld [tilespmem:s25+$0x70];
	v41 =	vshll.u32 v58, v1;
	[tilespmem:v48+s16+$0x0] =	vst.idx.msk $0xffff, v46  }
0x105: {  	v36 =	vadd.s32 v28, v36;
	v45 =	vbroadcast v45, $0x0;
	v63 =	vld [tilespmem:s25+$0xB0];
	v41 =	vbroadcast v41, $0x0;
	[tilespmem:v51+s16+$0x0] =	vst.idx.msk $0xffff, v49  }
0x106: {  	v33 =	vadd.s32 v4, v33;
	s30 =	sadd.s32 $0x200, s25;
	v38 =	vshrl.u32 v38, $0x3;
	v55 =	vshll.u32 v53, v1;
	v48 =	vld [tilespmem:s25+$0xFFFFFF30];
	[tilespmem:v52+s16+$0x0] =	vst.idx.msk $0xffff, v50  }
0x107: {  	v40 =	vshll.u32 v57, v1;
	v47 =	vbroadcast v55, $0x0;
	v49 =	vld [tilespmem:s30+$0xC0];
	v50 =	vadd.s32 v29, v41;
	[tilespmem:v35+s16+$0x0] =	vst.idx.msk $0xffff, v56  }
0x108: {  	v42 =	vshll.u32 v60, v1;
	v40 =	vbroadcast v40, $0x0;
	v35 =	vld [tilespmem:s30+$0xFFFFFF00];
	v56 =	vadd.s32 v0, v45;
	[tilespmem:v34+s16+$0x0] =	vst.idx.msk $0xffff, v59  }
0x109: {  	v57 =	vld [tilespmem:s30+$0xFFFFFF40];
	v44 =	vshll.u32 v62, v1;
	v42 =	vbroadcast v42, $0x0;
	v58 =	vadd.s32 v5, v47;
	[tilespmem:v37+s16+$0x0] =	vst.idx.msk $0xffff, v61  }
0x10a: {  	v38 =	vshll.u32 v38, v1;
	v44 =	vbroadcast v44, $0x0;
	v60 =	vadd.s32 v9, v40;
	v59 =	vld [tilespmem:s30+$0xFFFFFF80];
	[tilespmem:v36+s16+$0x0] =	vst.idx.msk $0xffff, v63  }
0x10b: {  	v38 =	vbroadcast v38, $0x0;
	v62 =	vadd.s32 v13, v42;
	v61 =	vld [tilespmem:s30+$0xFFFFFFC0];
	[tilespmem:v33+s16+$0x0] =	vst.idx.msk $0xffff, v48  }
0x10c: {  	v39 =	vshrl.u32 v39, $0x3;
	v63 =	vadd.s32 v17, v44;
	v33 =	vld [tilespmem:s30+$0x0];
	[tilespmem:v50+s16+$0x0] =	vst.idx.msk $0xffff, v49  }
0x10d: {  	v39 =	vshll.u32 v39, v1;
	v34 =	vld [tilespmem:s30+$0x40];
	[tilespmem:v56+s16+$0x0] =	vst.idx.msk $0xffff, v35;
	v56 =	vadd.s32 v21, v38  }
0x10e: {  	[tilespmem:v58+s16+$0x0] =	vst.idx.msk $0xffff, v57;
	v35 =	vbroadcast v39, $0x0;
	v49 =	vadd.s32 v30, v41;
	v39 =	vld [tilespmem:s30+$0xD0]  }
0x10f: {  	[tilespmem:v60+s16+$0x0] =	vst.idx.msk $0xffff, v59;
	v59 =	vld [tilespmem:s30+$0xFFFFFF50];
	v60 =	vadd.s32 v6, v47  }
0x110: {  	v57 =	vld [tilespmem:s30+$0x80];
	[tilespmem:v62+s16+$0x0] =	vst.idx.msk $0xffff, v61;
	v58 =	vadd.s32 v25, v35  }
0x111: {  	v61 =	vld [tilespmem:s30+$0xFFFFFF90];
	v62 =	vadd.s32 v10, v40;
	[tilespmem:v63+s16+$0x0] =	vst.idx.msk $0xffff, v33  }
0x112: {  	v33 =	vld [tilespmem:s30+$0xFFFFFFD0];
	v63 =	vadd.s32 v14, v42;
	[tilespmem:v56+s16+$0x0] =	vst.idx.msk $0xffff, v34  }
0x113: {  	v56 =	vadd.s32 v18, v44;
	[tilespmem:v49+s16+$0x0] =	vst.idx.msk $0xffff, v39;
	v49 =	vld [tilespmem:s30+$0x10]  }
0x114: {  	[tilespmem:v60+s16+$0x0] =	vst.idx.msk $0xffff, v59;
	v39 =	vadd.s32 v31, v41;
	v34 =	vld [tilespmem:s30+$0xE0]  }
0x115: {  	[tilespmem:v58+s16+$0x0] =	vst.idx.msk $0xffff, v57;
	v57 =	vld [tilespmem:s30+$0x50];
	v58 =	vadd.s32 v22, v38  }
0x116: {  	[tilespmem:v62+s16+$0x0] =	vst.idx.msk $0xffff, v61;
	v61 =	vld [tilespmem:s30+$0xFFFFFF10];
	v62 =	vadd.s32 v2, v45  }
0x117: {  	v60 =	vadd.s32 v26, v35;
	v59 =	vld [tilespmem:s30+$0x90];
	[tilespmem:v63+s16+$0x0] =	vst.idx.msk $0xffff, v33  }
0x118: {  	v55 =	vadd.s32 v11, v40;
	v54 =	vadd.s32 v32, v41;
	v41 =	vld [tilespmem:s30+$0xFFFFFFA0];
	[tilespmem:v56+s16+$0x0] =	vst.idx.msk $0xffff, v49  }
0x119: {  	v53 =	vadd.s32 v7, v47;
	v63 =	vld [tilespmem:s30+$0xFFFFFF60];
	[tilespmem:v39+s16+$0x0] =	vst.idx.msk $0xffff, v34  }
0x11a: {  	v56 =	vld [tilespmem:s30+$0xFFFFFFE0];
	[tilespmem:v58+s16+$0x0] =	vst.idx.msk $0xffff, v57;
	v57 =	vadd.s32 v15, v42  }
0x11b: {  	[tilespmem:v62+s16+$0x0] =	vst.idx.msk $0xffff, v61;
	v34 =	vld [tilespmem:s30+$0xF0]  }
0x11c: {  	v58 =	vld [tilespmem:s30+$0x20];
	[tilespmem:v60+s16+$0x0] =	vst.idx.msk $0xffff, v59;
	v59 =	vadd.s32 v19, v44  }
0x11d: {  	v61 =	vadd.s32 v23, v38;
	[tilespmem:v55+s16+$0x0] =	vst.idx.msk $0xffff, v41;
	v60 =	vld [tilespmem:s30+$0x60]  }
0x11e: {  	[tilespmem:v53+s16+$0x0] =	vst.idx.msk $0xffff, v63;
	v63 =	vadd.s32 v27, v35;
	v62 =	vld [tilespmem:s30+$0xA0]  }
0x11f: {  	v47 =	vadd.s32 v8, v47;
	v55 =	vld [tilespmem:s30+$0xFFFFFF70];
	[tilespmem:v57+s16+$0x0] =	vst.idx.msk $0xffff, v56  }
0x120: {  	v53 =	vld [tilespmem:s30+$0xFFFFFF20];
	[tilespmem:v54+s16+$0x0] =	vst.idx.msk $0xffff, v34;
	v54 =	vadd.s32 v3, v45  }
0x121: {  	v40 =	vadd.s32 v12, v40;
	v56 =	vld [tilespmem:s30+$0xFFFFFFB0];
	[tilespmem:v59+s16+$0x0] =	vst.idx.msk $0xffff, v58  }
0x122: {  	v42 =	vadd.s32 v16, v42;
	v57 =	vld [tilespmem:s30+$0xFFFFFFF0];
	[tilespmem:v61+s16+$0x0] =	vst.idx.msk $0xffff, v60  }
0x123: {  	v59 =	vadd.s32 v20, v44;
	v58 =	vld [tilespmem:s30+$0x30];
	[tilespmem:v63+s16+$0x0] =	vst.idx.msk $0xffff, v62  }
0x124: {  	v38 =	vadd.s32 v24, v38;
	v60 =	vld [tilespmem:s30+$0x70];
	[tilespmem:v47+s16+$0x0] =	vst.idx.msk $0xffff, v55  }
0x125: {  	v35 =	vadd.s32 v28, v35;
	v61 =	vld [tilespmem:s30+$0xB0];
	[tilespmem:v54+s16+$0x0] =	vst.idx.msk $0xffff, v53  }
0x126: {  	v63 =	vadd.s32 v4, v45;
	[tilespmem:v40+s16+$0x0] =	vst.idx.msk $0xffff, v56;
	v62 =	vld [tilespmem:s30+$0xFFFFFF30]  }
0x127: {  	[tilespmem:v42+s16+$0x0] =	vst.idx.msk $0xffff, v57  }
0x128: {  	[tilespmem:v59+s16+$0x0] =	vst.idx.msk $0xffff, v58  }
0x129: {  	s1 =	sadd.s32 s2, s24;
	[tilespmem:v38+s16+$0x0] =	vst.idx.msk $0xffff, v60  }
0x12a: {  	s1 =	sadd.s32 s23, s1;
	[tilespmem:v35+s16+$0x0] =	vst.idx.msk $0xffff, v61  }
0x12b: {  	s31 =	simm.s32 $0x10600;
	s1 =	sadd.s32 $0x80, s1;
	[tilespmem:v63+s16+$0x0] =	vst.idx.msk $0xffff, v62  }
0x12c: {  	[hbm4b:s1+s3] =	stream.linear.scatter [tilespmem:s31], [sflag:$0x2], $0x80, $0x38;
	[tilespmem:$0x16C00] =	vst v63  }
0x12d: {  	s24 =	simm.s32 $0x10688;
	s25 =	sadd.s32 $0x10, s1  }
0x12e: {  	[hbm4b:s25+s3] =	stream.linear.scatter [tilespmem:s24], [sflag:$0x2], $0x80, $0x38;
	[tilespmem:$0x16C00] =	vst v63  }
0x12f: {  	s26 =	simm.s32 $0x10710;
	s23 =	simm.s32 $0x440;
	s29 =	sadd.s32 $0x20, s1  }
0x130: {  	[hbm4b:s29+s3] =	stream.linear.scatter [tilespmem:s26], [sflag:$0x2], $0x80, $0x38;
	[tilespmem:$0x16C00] =	vst v63  }
0x131: {  	s28 =	sadd.s32 $0x70, s1;
	s30 =	simm.s32 $0x10798;
	s31 =	sadd.s32 $0x30, s1  }
0x132: {  	[hbm4b:s31+s3] =	stream.linear.scatter [tilespmem:s30], [sflag:$0x2], $0x80, $0x38;
	[tilespmem:$0x16C00] =	vst v63  }
0x133: {  	s24 =	simm.s32 $0x10820;
	s25 =	sadd.s32 $0x40, s1;
	s26 =	simm.s32 $0x108A8  }
0x134: {  	[hbm4b:s25+s3] =	stream.linear.scatter [tilespmem:s24], [sflag:$0x2], $0x80, $0x38;
	[tilespmem:$0x16C00] =	vst v63  }
0x135: {  	s29 =	sadd.s32 $0x50, s1;
	s30 =	simm.s32 $0x10930;
	s31 =	sadd.s32 $0x60, s1  }
0x136: {  	[hbm4b:s29+s3] =	stream.linear.scatter [tilespmem:s26], [sflag:$0x2], $0x80, $0x38;
	[tilespmem:$0x16C00] =	vst v63  }
0x137: {  	s25 =	simm.s32 $0x2200;
	s24 =	sadd.s32 $0x4000, s1;
	s26 =	simm.s32 $0x109B8  }
0x138: {  	[hbm4b:s31+s3] =	stream.linear.scatter [tilespmem:s30], [sflag:$0x2], $0x80, $0x38;
	[tilespmem:$0x16C00] =	vst v63  }
.LBB2_9:
0x139: {  	[hbm4b:s28+s3] =	stream.linear.scatter [tilespmem:s26], [sflag:$0x2], $0x80, $0x38;
	[tilespmem:$0x16C00] =	vst v63  }
0x13a: {  	s1 =	smov.u32 s23;
	s23 =	smov.u32 s25  }
0x13b: {  	s29 =	sadd.s32 $0x1100, s25;
	s23 =	sshra.s32 s23, $0x2;
	s26 =	sadd.s32 $0x10600, s1  }
0x13c: {  	[hbm4b:s24+s3] =	stream.linear.scatter [tilespmem:s26], [sflag:$0x2], $0x80, $0x38;
	[tilespmem:$0x16C00] =	vst v63  }
0x13d: {  	p1 =	sne.s32 s25, $0x7700;
	s25 =	sadd.s32 $0x10688, s1;
	s26 =	sadd.s32 $0x10, s24  }
0x13e: {  	[hbm4b:s26+s3] =	stream.linear.scatter [tilespmem:s25], [sflag:$0x2], $0x80, $0x38;
	[tilespmem:$0x16C00] =	vst v63  }
0x13f: {  	s25 =	sadd.s32 $0x10710, s1;
	s26 =	sadd.s32 $0x20, s24  }
0x140: {  	[hbm4b:s26+s3] =	stream.linear.scatter [tilespmem:s25], [sflag:$0x2], $0x80, $0x38;
	[tilespmem:$0x16C00] =	vst v63  }
0x141: {  	s25 =	sadd.s32 $0x10798, s1;
	s26 =	sadd.s32 $0x30, s24  }
0x142: {  	[hbm4b:s26+s3] =	stream.linear.scatter [tilespmem:s25], [sflag:$0x2], $0x80, $0x38;
	[tilespmem:$0x16C00] =	vst v63  }
0x143: {  	s25 =	sadd.s32 $0x10820, s1;
	s26 =	sadd.s32 $0x40, s24  }
0x144: {  	[hbm4b:s26+s3] =	stream.linear.scatter [tilespmem:s25], [sflag:$0x2], $0x80, $0x38;
	[tilespmem:$0x16C00] =	vst v63  }
.Ltmp3:
0x145: {  	s25 =	sadd.s32 $0x108A8, s1;
	s26 =	sadd.s32 $0x50, s24;
	(pc) =	sbr.rel @p1 .LBB2_9-.Ltmp3, $4  }
0x146: {  	[hbm4b:s26+s3] =	stream.linear.scatter [tilespmem:s25], [sflag:$0x2], $0x80, $0x38;
	[tilespmem:$0x16C00] =	vst v63  }
0x147: {  	s28 =	sadd.s32 $0x70, s24;
	s25 =	sadd.s32 $0x10930, s1;
	s26 =	sadd.s32 $0x60, s24  }
0x148: {  	[hbm4b:s26+s3] =	stream.linear.scatter [tilespmem:s25], [sflag:$0x2], $0x80, $0x38;
	[tilespmem:$0x16C00] =	vst v63  }
0x149: {  	s24 =	sadd.s32 $0x4000, s24;
	s26 =	sadd.s32 $0x109B8, s1;
	s25 =	smov.u32 s29  }
0x14a: {  	[hbm4b:s28+s3] =	stream.linear.scatter [tilespmem:s26], [sflag:$0x2], $0x80, $0x38;
	[tilespmem:$0x16C00] =	vst v63  }
0x14b: {  	s1 =	sadd.s32 $0x10600, s23  }
0x14c: {  	[hbm4b:s24+s3] =	stream.linear.scatter [tilespmem:s1], [sflag:$0x2], $0x80, $0x38;
	[tilespmem:$0x16C00] =	vst v63  }
0x14d: {  	s26 =	sadd.s32 $0x10688, s23;
	s25 =	sadd.s32 $0x10, s24  }
0x14e: {  	[hbm4b:s25+s3] =	stream.linear.scatter [tilespmem:s26], [sflag:$0x2], $0x80, $0x38;
	[tilespmem:$0x16C00] =	vst v63  }
0x14f: {  	s28 =	sadd.s32 $0x10710, s23;
	s29 =	sadd.s32 $0x20, s24  }
0x150: {  	[hbm4b:s29+s3] =	stream.linear.scatter [tilespmem:s28], [sflag:$0x2], $0x80, $0x38;
	[tilespmem:$0x16C00] =	vst v63  }
0x151: {  	s30 =	sadd.s32 $0x10798, s23;
	s31 =	sadd.s32 $0x30, s24  }
0x152: {  	[hbm4b:s31+s3] =	stream.linear.scatter [tilespmem:s30], [sflag:$0x2], $0x80, $0x38;
	[tilespmem:$0x16C00] =	vst v63  }
0x153: {  	s25 =	sadd.s32 $0x10820, s23;
	s26 =	sadd.s32 $0x40, s24  }
0x154: {  	[hbm4b:s26+s3] =	stream.linear.scatter [tilespmem:s25], [sflag:$0x2], $0x80, $0x38;
	[tilespmem:$0x16C00] =	vst v63  }
0x155: {  	s28 =	sadd.s32 $0x108A8, s23;
	s29 =	sadd.s32 $0x50, s24  }
0x156: {  	[hbm4b:s29+s3] =	stream.linear.scatter [tilespmem:s28], [sflag:$0x2], $0x80, $0x38;
	[tilespmem:$0x16C00] =	vst v63  }
0x157: {  	s30 =	sadd.s32 $0x10930, s23;
	s31 =	sadd.s32 $0x60, s24  }
0x158: {  	[hbm4b:s31+s3] =	stream.linear.scatter [tilespmem:s30], [sflag:$0x2], $0x80, $0x38;
	[tilespmem:$0x16C00] =	vst v63  }
0x159: {  	s1 =	simm.s32 @!p0 $0x2;
	s25 =	sadd.s32 $0x109B8, s23;
	s26 =	sadd.s32 $0x70, s24  }
0x15a: {  	[hbm4b:s26+s3] =	stream.linear.scatter [tilespmem:s25], [sflag:$0x2], $0x80, $0x38;
	[tilespmem:$0x16C00] =	vst v63  }
0x15b: {  	_ =	swait.ge @!p0 [sflag:s1], $0x2000  }
0x15c: {  	[sflag:s1] =	ssyncset.done @!p0 $0x0  }
0x15d: {  	[sflag:s1] =	ssyncadd.s32 @!p0 $0xFFFFE000  }
0x15e: {  	_ =	swait.ge @!p0 [sflag:s1], $0x2000  }
0x15f: {  	[sflag:s1] =	ssyncset.done @!p0 $0x0  }
0x160: {  	s28 =	simm.s32 $0x0;
	s29 =	simm.s32 $0x1;
	[sflag:s1] =	ssyncadd.s32 @!p0 $0xFFFFE000  }
0x161: {  	v33 =	vmov s28;
	v34 =	vmov s29;
	s28 =	simm.s32 $0x4;
	s29 =	simm.s32 $0x7;
	_ =	swait.ge [sflag:s12], $0x2000  }
0x162: {  	s30 =	simm.s32 $0x2;
	s31 =	simm.s32 $0x3;
	[sflag:s12] =	ssyncset.done $0x0  }
0x163: {  	v35 =	vmov s30;
	s30 =	simm.s32 $0x5;
	p0 =	seq.s32 s21, $0x31;
	[sflag:s12] =	ssyncadd.s32 $0xFFFFE000  }
0x164: {  	v33 =	vshrl.u32 v33, $0x3;
	v37 =	vmov s28;
	v36 =	vmov s31;
	s31 =	simm.s32 $0x6;
	s1 =	sshll.u32 @!p0 s21, $0x9;
	_ =	swait.ge [sflag:s12], $0x2000  }
0x165: {  	v38 =	vmov s29;
	v34 =	vshrl.u32 v34, $0x3;
	v33 =	vshll.u32 v33, v1;
	s24 =	simm.s32 @!p0 $0x80;
	s1 =	sand.u32 @!p0 $0x3FFFFE00, s1;
	[sflag:s12] =	ssyncset.done $0x0  }
0x166: {  	v38 =	vshrl.u32 v38, $0x3;
	v37 =	vshrl.u32 v37, $0x3;
	v34 =	vshll.u32 v34, v1;
	s25 =	simm.s32 @!p0 $0x6400;
	s23 =	sadd.s32 @!p0 $0x200, s1;
	[sflag:s12] =	ssyncadd.s32 $0xFFFFE000  }
0x167: {  	v39 =	vmov s30;
	v40 =	vmov s31;
	v38 =	vshll.u32 v38, v1;
	[tilespmem:s25], [sflag:$0x1] =	stream.indirect.gather @!p0 [hbm4b:s4+s24], $0x40, s23, s24, $0xb8;
	[tilespmem:$0x16C00] =	vst v63  }
0x168: {  	v35 =	vshrl.u32 v35, $0x3;
	v36 =	vshrl.u32 v36, $0x3;
	v38 =	vbroadcast v38, $0x0;
	s1 =	sadd.s32 @!p0 $0x280, s1;
	s25 =	simm.s32 @!p0 $0x8400;
	s23 =	simm.s32 $0xA500  }
0x169: {  	v33 =	vbroadcast v33, $0x0;
	v45 =	vbroadcast v34, $0x0;
	v54 =	vshll.u32 v37, v1;
	[tilespmem:s25], [sflag:$0x1] =	stream.indirect.gather @!p0 [hbm4b:s4+s24], $0x40, s1, s24, $0xb8;
	[tilespmem:$0x16C00] =	vst v63  }
0x16a: {  	v52 =	vshll.u32 v35, v1;
	v53 =	vshll.u32 v36, v1;
	v42 =	vadd.s32 v29, v38;
	v41 =	vld [tilespmem:s23+$0xC0]  }
0x16b: {  	v34 =	vbroadcast v54, $0x0;
	v44 =	vadd.s32 v0, v33;
	v52 =	vbroadcast v52, $0x0;
	v43 =	vld [tilespmem:s23+$0xFFFFFF00]  }
0x16c: {  	v55 =	vshrl.u32 v39, $0x3;
	v47 =	vadd.s32 v5, v45;
	v35 =	vbroadcast v53, $0x0;
	v46 =	vld [tilespmem:s23+$0xFFFFFF40]  }
0x16d: {  	v40 =	vshrl.u32 v40, $0x3;
	v36 =	vshll.u32 v55, v1;
	v49 =	vadd.s32 v9, v52;
	v48 =	vld [tilespmem:s23+$0xFFFFFF80]  }
0x16e: {  	v56 =	vshll.u32 v40, v1;
	v37 =	vbroadcast v36, $0x0;
	v50 =	vadd.s32 v13, v35;
	v39 =	vld [tilespmem:s23+$0xFFFFFFC0]  }
0x16f: {  	v53 =	vadd.s32 v17, v34;
	v36 =	vbroadcast v56, $0x0;
	v51 =	vld [tilespmem:s23+$0x0];
	[tilespmem:v42+s17+$0x0] =	vst.idx.msk $0xffff, v41  }
0x170: {  	v60 =	vadd.s32 v21, v37;
	v59 =	vld [tilespmem:s23+$0x40];
	[tilespmem:v44+s17+$0x0] =	vst.idx.msk $0xffff, v43  }
0x171: {  	v62 =	vadd.s32 v25, v36;
	v61 =	vld [tilespmem:s23+$0x80];
	[tilespmem:v47+s17+$0x0] =	vst.idx.msk $0xffff, v46  }
0x172: {  	v58 =	vadd.s32 v30, v38;
	[tilespmem:v49+s17+$0x0] =	vst.idx.msk $0xffff, v48;
	v57 =	vld [tilespmem:s23+$0xD0]  }
0x173: {  	v63 =	vadd.s32 v6, v45;
	[tilespmem:v50+s17+$0x0] =	vst.idx.msk $0xffff, v39;
	v47 =	vld [tilespmem:s23+$0xFFFFFF50]  }
0x174: {  	v55 =	vadd.s32 v10, v52;
	[tilespmem:v53+s17+$0x0] =	vst.idx.msk $0xffff, v51;
	v54 =	vld [tilespmem:s23+$0xFFFFFF90]  }
0x175: {  	v56 =	vadd.s32 v14, v35;
	[tilespmem:v60+s17+$0x0] =	vst.idx.msk $0xffff, v59;
	v50 =	vld [tilespmem:s23+$0xFFFFFFD0]  }
0x176: {  	[tilespmem:v62+s17+$0x0] =	vst.idx.msk $0xffff, v61;
	v46 =	vadd.s32 v22, v37;
	v44 =	vld [tilespmem:s23+$0x50]  }
0x177: {  	v59 =	vadd.s32 v18, v34;
	[tilespmem:v58+s17+$0x0] =	vst.idx.msk $0xffff, v57;
	v58 =	vld [tilespmem:s23+$0x10]  }
0x178: {  	v57 =	vadd.s32 v31, v38;
	[tilespmem:v63+s17+$0x0] =	vst.idx.msk $0xffff, v47;
	v40 =	vld [tilespmem:s23+$0xE0]  }
0x179: {  	v60 =	vadd.s32 v26, v36;
	[tilespmem:v55+s17+$0x0] =	vst.idx.msk $0xffff, v54;
	v63 =	vld [tilespmem:s23+$0x90]  }
0x17a: {  	v62 =	vadd.s32 v2, v33;
	v61 =	vld [tilespmem:s23+$0xFFFFFF10];
	[tilespmem:v56+s17+$0x0] =	vst.idx.msk $0xffff, v50  }
0x17b: {  	v51 =	vadd.s32 v7, v45;
	[tilespmem:v46+s17+$0x0] =	vst.idx.msk $0xffff, v44;
	v50 =	vld [tilespmem:s23+$0xFFFFFF60]  }
0x17c: {  	v56 =	vadd.s32 v11, v52;
	v55 =	vld [tilespmem:s23+$0xFFFFFFA0];
	[tilespmem:v59+s17+$0x0] =	vst.idx.msk $0xffff, v58  }
0x17d: {  	v58 =	vadd.s32 v15, v35;
	[tilespmem:v57+s17+$0x0] =	vst.idx.msk $0xffff, v40;
	v57 =	vld [tilespmem:s23+$0xFFFFFFE0]  }
0x17e: {  	[tilespmem:v60+s17+$0x0] =	vst.idx.msk $0xffff, v63;
	v60 =	vadd.s32 v19, v34;
	v59 =	vld [tilespmem:s23+$0x20]  }
0x17f: {  	s25 =	simm.s32 $0x9;
	v38 =	vadd.s32 v32, v38;
	[tilespmem:v62+s17+$0x0] =	vst.idx.msk $0xffff, v61;
	v54 =	vld [tilespmem:s23+$0xF0]  }
0x180: {  	s24 =	simm.s32 $0x8;
	v41 =	vadd.s32 v23, v37;
	v53 =	vmov s25;
	[tilespmem:v51+s17+$0x0] =	vst.idx.msk $0xffff, v50;
	v40 =	vld [tilespmem:s23+$0x60]  }
0x181: {  	s28 =	simm.s32 $0xB;
	s29 =	simm.s32 $0xC;
	v43 =	vadd.s32 v27, v36;
	v48 =	vadd.s32 v3, v33;
	v63 =	vmov s24;
	v42 =	vld [tilespmem:s23+$0xA0];
	[tilespmem:v56+s17+$0x0] =	vst.idx.msk $0xffff, v55  }
0x182: {  	s31 =	simm.s32 $0xE;
	v44 =	vmov s28;
	v47 =	vmov s29;
	v46 =	vld [tilespmem:s23+$0xFFFFFF20];
	v39 =	vshrl.u32 v63, $0x3;
	[tilespmem:v58+s17+$0x0] =	vst.idx.msk $0xffff, v57  }
0x183: {  	s26 =	simm.s32 $0xA;
	s30 =	simm.s32 $0xD;
	v51 =	vadd.s32 v8, v45;
	v49 =	vld [tilespmem:s23+$0xFFFFFF70];
	v45 =	vshll.u32 v39, v1;
	v39 =	vmov s31;
	[tilespmem:v60+s17+$0x0] =	vst.idx.msk $0xffff, v59  }
0x184: {  	s25 =	simm.s32 $0xF;
	v52 =	vadd.s32 v12, v52;
	s24 =	simm.s32 $0x10;
	v50 =	vld [tilespmem:s23+$0xFFFFFFB0];
	[tilespmem:v38+s17+$0x0] =	vst.idx.msk $0xffff, v54;
	v54 =	vmov s26;
	v38 =	vmov s30  }
.LBB2_11:
0x185: {  	p0 =	slt.u32 s24, $0x78;
	v53 =	vshrl.u32 v53, $0x3;
	v55 =	vmov s25;
	v56 =	vld [tilespmem:s23+$0xFFFFFFF0];
	v35 =	vadd.s32 v16, v35;
	[tilespmem:v41+s17+$0x0] =	vst.idx.msk $0xffff, v40  }
0x186: {  	v40 =	vshrl.u32 v54, $0x3;
	v34 =	vadd.s32 v20, v34;
	v41 =	vshrl.u32 v55, $0x3;
	v54 =	vld [tilespmem:s23+$0x30];
	[tilespmem:v43+s17+$0x0] =	vst.idx.msk $0xffff, v42  }
0x187: {  	v37 =	vadd.s32 v24, v37;
	v42 =	vshrl.u32 v44, $0x3;
	v41 =	vshll.u32 v41, v1;
	[tilespmem:v48+s17+$0x0] =	vst.idx.msk $0xffff, v46;
	v43 =	vld [tilespmem:s23+$0x70]  }
0x188: {  	v36 =	vadd.s32 v28, v36;
	v44 =	vshrl.u32 v47, $0x3;
	v41 =	vbroadcast v41, $0x0;
	[tilespmem:v51+s17+$0x0] =	vst.idx.msk $0xffff, v49;
	v46 =	vld [tilespmem:s23+$0xB0]  }
0x189: {  	v47 =	vshll.u32 v53, v1;
	v49 =	vadd.s32 v4, v33;
	v33 =	vbroadcast v45, $0x0;
	v48 =	vld [tilespmem:s23+$0xFFFFFF30];
	[tilespmem:v52+s17+$0x0] =	vst.idx.msk $0xffff, v50;
	s23 =	sadd.s32 $0x200, s23  }
0x18a: {  	v40 =	vshll.u32 v40, v1;
	v45 =	vbroadcast v47, $0x0;
	v47 =	vld [tilespmem:s23+$0xC0];
	v50 =	vadd.s32 v29, v41;
	[tilespmem:v35+s17+$0x0] =	vst.idx.msk $0xffff, v56  }
0x18b: {  	v55 =	vbroadcast v40, $0x0;
	v52 =	vadd.s32 v0, v33;
	v35 =	vshll.u32 v42, v1;
	v51 =	vld [tilespmem:s23+$0xFFFFFF00];
	[tilespmem:v34+s17+$0x0] =	vst.idx.msk $0xffff, v54  }
0x18c: {  	v42 =	vadd.s32 v5, v45;
	v35 =	vbroadcast v35, $0x0;
	v34 =	vshll.u32 v44, v1;
	v40 =	vld [tilespmem:s23+$0xFFFFFF40];
	[tilespmem:v37+s17+$0x0] =	vst.idx.msk $0xffff, v43  }
0x18d: {  	v44 =	vadd.s32 v9, v55;
	v34 =	vbroadcast v34, $0x0;
	v37 =	vshrl.u32 v38, $0x3;
	v43 =	vld [tilespmem:s23+$0xFFFFFF80];
	[tilespmem:v36+s17+$0x0] =	vst.idx.msk $0xffff, v46  }
0x18e: {  	v39 =	vshrl.u32 v39, $0x3;
	v46 =	vadd.s32 v13, v35;
	v36 =	vshll.u32 v37, v1;
	v38 =	vld [tilespmem:s23+$0xFFFFFFC0];
	[tilespmem:v49+s17+$0x0] =	vst.idx.msk $0xffff, v48  }
0x18f: {  	v49 =	vadd.s32 v17, v34;
	v37 =	vbroadcast v36, $0x0;
	v36 =	vshll.u32 v39, v1;
	v48 =	vld [tilespmem:s23+$0x0];
	[tilespmem:v50+s17+$0x0] =	vst.idx.msk $0xffff, v47  }
0x190: {  	v36 =	vbroadcast v36, $0x0;
	v47 =	vadd.s32 v30, v41;
	[tilespmem:v52+s17+$0x0] =	vst.idx.msk $0xffff, v51;
	v39 =	vld [tilespmem:s23+$0xD0]  }
0x191: {  	[tilespmem:v42+s17+$0x0] =	vst.idx.msk $0xffff, v40;
	v40 =	vld [tilespmem:s23+$0x40];
	v42 =	vadd.s32 v21, v37  }
0x192: {  	[tilespmem:v44+s17+$0x0] =	vst.idx.msk $0xffff, v43;
	v43 =	vld [tilespmem:s23+$0x80];
	v44 =	vadd.s32 v25, v36  }
0x193: {  	v51 =	vadd.s32 v6, v45;
	v50 =	vld [tilespmem:s23+$0xFFFFFF50];
	[tilespmem:v46+s17+$0x0] =	vst.idx.msk $0xffff, v38  }
0x194: {  	v46 =	vadd.s32 v10, v55;
	v38 =	vld [tilespmem:s23+$0xFFFFFF90];
	[tilespmem:v49+s17+$0x0] =	vst.idx.msk $0xffff, v48  }
0x195: {  	v49 =	vadd.s32 v14, v35;
	v48 =	vld [tilespmem:s23+$0xFFFFFFD0];
	[tilespmem:v47+s17+$0x0] =	vst.idx.msk $0xffff, v39  }
0x196: {  	[tilespmem:v42+s17+$0x0] =	vst.idx.msk $0xffff, v40;
	v39 =	vld [tilespmem:s23+$0xE0];
	v40 =	vadd.s32 v31, v41  }
0x197: {  	v47 =	vadd.s32 v18, v34;
	v42 =	vld [tilespmem:s23+$0x10];
	[tilespmem:v44+s17+$0x0] =	vst.idx.msk $0xffff, v43  }
0x198: {  	v44 =	vadd.s32 v22, v37;
	[tilespmem:v51+s17+$0x0] =	vst.idx.msk $0xffff, v50;
	v43 =	vld [tilespmem:s23+$0x50]  }
0x199: {  	[tilespmem:v46+s17+$0x0] =	vst.idx.msk $0xffff, v38;
	v38 =	vld [tilespmem:s23+$0x90];
	v46 =	vadd.s32 v26, v36  }
0x19a: {  	v51 =	vadd.s32 v2, v33;
	v50 =	vld [tilespmem:s23+$0xFFFFFF10];
	[tilespmem:v49+s17+$0x0] =	vst.idx.msk $0xffff, v48  }
0x19b: {  	v49 =	vadd.s32 v7, v45;
	v48 =	vld [tilespmem:s23+$0xFFFFFF60];
	[tilespmem:v40+s17+$0x0] =	vst.idx.msk $0xffff, v39  }
0x19c: {  	[tilespmem:v47+s17+$0x0] =	vst.idx.msk $0xffff, v42;
	v39 =	vld [tilespmem:s23+$0xF0];
	v47 =	vadd.s32 v32, v41  }
0x19d: {  	v56 =	vadd.s32 v11, v55;
	v52 =	vld [tilespmem:s23+$0xFFFFFFA0];
	[tilespmem:v44+s17+$0x0] =	vst.idx.msk $0xffff, v43  }
0x19e: {  	v58 =	vadd.s32 v15, v35;
	v57 =	vld [tilespmem:s23+$0xFFFFFFE0];
	[tilespmem:v46+s17+$0x0] =	vst.idx.msk $0xffff, v38  }
0x19f: {  	v60 =	vadd.s32 v19, v34;
	[tilespmem:v51+s17+$0x0] =	vst.idx.msk $0xffff, v50;
	v59 =	vld [tilespmem:s23+$0x20]  }
.Ltmp4:
0x1a0: {  	s1 =	sadd.s32 $0x1, s24;
	v41 =	vadd.s32 v23, v37;
	v38 =	vmov s24;
	[tilespmem:v49+s17+$0x0] =	vst.idx.msk $0xffff, v48;
	v40 =	vld [tilespmem:s23+$0x60];
	(pc) =	sbr.rel @p0 .LBB2_11-.Ltmp4, $4  }
0x1a1: {  	s25 =	sadd.s32 $0x3, s24;
	v53 =	vmov s1;
	s1 =	sadd.s32 $0x2, s24;
	v43 =	vadd.s32 v27, v36;
	v50 =	vshrl.u32 v38, $0x3;
	v42 =	vld [tilespmem:s23+$0xA0];
	[tilespmem:v47+s17+$0x0] =	vst.idx.msk $0xffff, v39  }
0x1a2: {  	v54 =	vmov s1;
	s1 =	sadd.s32 $0x4, s24;
	v44 =	vmov s25;
	s25 =	sadd.s32 $0x5, s24;
	v48 =	vadd.s32 v3, v33;
	v46 =	vld [tilespmem:s23+$0xFFFFFF20];
	[tilespmem:v56+s17+$0x0] =	vst.idx.msk $0xffff, v52  }
0x1a3: {  	v38 =	vmov s25;
	v51 =	vadd.s32 v8, v45;
	v47 =	vmov s1;
	s1 =	sadd.s32 $0x6, s24;
	v49 =	vld [tilespmem:s23+$0xFFFFFF70];
	[tilespmem:v58+s17+$0x0] =	vst.idx.msk $0xffff, v57  }
0x1a4: {  	s25 =	sadd.s32 $0x7, s24;
	v45 =	vshll.u32 v50, v1;
	s24 =	sadd.s32 $0x8, s24;
	v39 =	vmov s1;
	v52 =	vadd.s32 v12, v55;
	v50 =	vld [tilespmem:s23+$0xFFFFFFB0];
	[tilespmem:v60+s17+$0x0] =	vst.idx.msk $0xffff, v59  }
0x1a5: {  	_ =	sdelay $0x2  }
0x1a6: {  	v53 =	vshrl.u32 v53, $0x3  }
0x1a7: {  	v55 =	vmov s25;
	v56 =	vld [tilespmem:s23+$0xFFFFFFF0];
	v35 =	vadd.s32 v16, v35;
	[tilespmem:v41+s17+$0x0] =	vst.idx.msk $0xffff, v40;
	v57 =	vshrl.u32 v54, $0x3  }
0x1a8: {  	v59 =	vld [tilespmem:s23+$0x30];
	v34 =	vadd.s32 v20, v34;
	v60 =	vshrl.u32 v44, $0x3;
	v58 =	vshrl.u32 v55, $0x3;
	[tilespmem:v43+s17+$0x0] =	vst.idx.msk $0xffff, v42  }
0x1a9: {  	v37 =	vadd.s32 v24, v37;
	v62 =	vshrl.u32 v47, $0x3;
	v61 =	vld [tilespmem:s23+$0x70];
	v41 =	vshll.u32 v58, v1;
	[tilespmem:v48+s17+$0x0] =	vst.idx.msk $0xffff, v46  }
0x1aa: {  	v36 =	vadd.s32 v28, v36;
	v45 =	vbroadcast v45, $0x0;
	v63 =	vld [tilespmem:s23+$0xB0];
	v41 =	vbroadcast v41, $0x0;
	[tilespmem:v51+s17+$0x0] =	vst.idx.msk $0xffff, v49  }
0x1ab: {  	v33 =	vadd.s32 v4, v33;
	s1 =	sadd.s32 $0x200, s23;
	v38 =	vshrl.u32 v38, $0x3;
	v55 =	vshll.u32 v53, v1;
	v48 =	vld [tilespmem:s23+$0xFFFFFF30];
	[tilespmem:v52+s17+$0x0] =	vst.idx.msk $0xffff, v50  }
0x1ac: {  	v40 =	vshll.u32 v57, v1;
	v47 =	vbroadcast v55, $0x0;
	v49 =	vld [tilespmem:s1+$0xC0];
	v50 =	vadd.s32 v29, v41;
	[tilespmem:v35+s17+$0x0] =	vst.idx.msk $0xffff, v56  }
0x1ad: {  	v42 =	vshll.u32 v60, v1;
	v40 =	vbroadcast v40, $0x0;
	v35 =	vld [tilespmem:s1+$0xFFFFFF00];
	v56 =	vadd.s32 v0, v45;
	[tilespmem:v34+s17+$0x0] =	vst.idx.msk $0xffff, v59  }
0x1ae: {  	v57 =	vld [tilespmem:s1+$0xFFFFFF40];
	v44 =	vshll.u32 v62, v1;
	v42 =	vbroadcast v42, $0x0;
	v58 =	vadd.s32 v5, v47;
	[tilespmem:v37+s17+$0x0] =	vst.idx.msk $0xffff, v61  }
0x1af: {  	v38 =	vshll.u32 v38, v1;
	v44 =	vbroadcast v44, $0x0;
	v60 =	vadd.s32 v9, v40;
	v59 =	vld [tilespmem:s1+$0xFFFFFF80];
	[tilespmem:v36+s17+$0x0] =	vst.idx.msk $0xffff, v63  }
0x1b0: {  	v38 =	vbroadcast v38, $0x0;
	v62 =	vadd.s32 v13, v42;
	v61 =	vld [tilespmem:s1+$0xFFFFFFC0];
	[tilespmem:v33+s17+$0x0] =	vst.idx.msk $0xffff, v48  }
0x1b1: {  	v39 =	vshrl.u32 v39, $0x3;
	v63 =	vadd.s32 v17, v44;
	v33 =	vld [tilespmem:s1+$0x0];
	[tilespmem:v50+s17+$0x0] =	vst.idx.msk $0xffff, v49  }
0x1b2: {  	v39 =	vshll.u32 v39, v1;
	v34 =	vld [tilespmem:s1+$0x40];
	[tilespmem:v56+s17+$0x0] =	vst.idx.msk $0xffff, v35;
	v56 =	vadd.s32 v21, v38  }
0x1b3: {  	[tilespmem:v58+s17+$0x0] =	vst.idx.msk $0xffff, v57;
	v35 =	vbroadcast v39, $0x0;
	v49 =	vadd.s32 v30, v41;
	v39 =	vld [tilespmem:s1+$0xD0]  }
0x1b4: {  	[tilespmem:v60+s17+$0x0] =	vst.idx.msk $0xffff, v59;
	v59 =	vld [tilespmem:s1+$0xFFFFFF50];
	v60 =	vadd.s32 v6, v47  }
0x1b5: {  	v57 =	vld [tilespmem:s1+$0x80];
	[tilespmem:v62+s17+$0x0] =	vst.idx.msk $0xffff, v61;
	v58 =	vadd.s32 v25, v35  }
0x1b6: {  	v61 =	vld [tilespmem:s1+$0xFFFFFF90];
	v62 =	vadd.s32 v10, v40;
	[tilespmem:v63+s17+$0x0] =	vst.idx.msk $0xffff, v33  }
0x1b7: {  	v33 =	vld [tilespmem:s1+$0xFFFFFFD0];
	v63 =	vadd.s32 v14, v42;
	[tilespmem:v56+s17+$0x0] =	vst.idx.msk $0xffff, v34  }
0x1b8: {  	v56 =	vadd.s32 v18, v44;
	[tilespmem:v49+s17+$0x0] =	vst.idx.msk $0xffff, v39;
	v49 =	vld [tilespmem:s1+$0x10]  }
0x1b9: {  	[tilespmem:v60+s17+$0x0] =	vst.idx.msk $0xffff, v59;
	v39 =	vadd.s32 v31, v41;
	v34 =	vld [tilespmem:s1+$0xE0]  }
0x1ba: {  	[tilespmem:v58+s17+$0x0] =	vst.idx.msk $0xffff, v57;
	v57 =	vld [tilespmem:s1+$0x50];
	v58 =	vadd.s32 v22, v38  }
0x1bb: {  	[tilespmem:v62+s17+$0x0] =	vst.idx.msk $0xffff, v61;
	v61 =	vld [tilespmem:s1+$0xFFFFFF10];
	v62 =	vadd.s32 v2, v45  }
0x1bc: {  	v60 =	vadd.s32 v26, v35;
	v59 =	vld [tilespmem:s1+$0x90];
	[tilespmem:v63+s17+$0x0] =	vst.idx.msk $0xffff, v33  }
0x1bd: {  	v55 =	vadd.s32 v11, v40;
	v54 =	vadd.s32 v32, v41;
	v41 =	vld [tilespmem:s1+$0xFFFFFFA0];
	[tilespmem:v56+s17+$0x0] =	vst.idx.msk $0xffff, v49  }
0x1be: {  	v53 =	vadd.s32 v7, v47;
	v63 =	vld [tilespmem:s1+$0xFFFFFF60];
	[tilespmem:v39+s17+$0x0] =	vst.idx.msk $0xffff, v34  }
0x1bf: {  	v56 =	vld [tilespmem:s1+$0xFFFFFFE0];
	[tilespmem:v58+s17+$0x0] =	vst.idx.msk $0xffff, v57;
	v57 =	vadd.s32 v15, v42  }
0x1c0: {  	[tilespmem:v62+s17+$0x0] =	vst.idx.msk $0xffff, v61;
	v34 =	vld [tilespmem:s1+$0xF0]  }
0x1c1: {  	v58 =	vld [tilespmem:s1+$0x20];
	[tilespmem:v60+s17+$0x0] =	vst.idx.msk $0xffff, v59;
	v59 =	vadd.s32 v19, v44  }
0x1c2: {  	v61 =	vadd.s32 v23, v38;
	[tilespmem:v55+s17+$0x0] =	vst.idx.msk $0xffff, v41;
	v60 =	vld [tilespmem:s1+$0x60]  }
0x1c3: {  	[tilespmem:v53+s17+$0x0] =	vst.idx.msk $0xffff, v63;
	v63 =	vadd.s32 v27, v35;
	v62 =	vld [tilespmem:s1+$0xA0]  }
0x1c4: {  	v47 =	vadd.s32 v8, v47;
	v55 =	vld [tilespmem:s1+$0xFFFFFF70];
	[tilespmem:v57+s17+$0x0] =	vst.idx.msk $0xffff, v56  }
0x1c5: {  	v53 =	vld [tilespmem:s1+$0xFFFFFF20];
	[tilespmem:v54+s17+$0x0] =	vst.idx.msk $0xffff, v34;
	v54 =	vadd.s32 v3, v45  }
0x1c6: {  	v40 =	vadd.s32 v12, v40;
	v56 =	vld [tilespmem:s1+$0xFFFFFFB0];
	[tilespmem:v59+s17+$0x0] =	vst.idx.msk $0xffff, v58  }
0x1c7: {  	v42 =	vadd.s32 v16, v42;
	v57 =	vld [tilespmem:s1+$0xFFFFFFF0];
	[tilespmem:v61+s17+$0x0] =	vst.idx.msk $0xffff, v60  }
0x1c8: {  	v59 =	vadd.s32 v20, v44;
	v58 =	vld [tilespmem:s1+$0x30];
	[tilespmem:v63+s17+$0x0] =	vst.idx.msk $0xffff, v62  }
0x1c9: {  	v38 =	vadd.s32 v24, v38;
	v60 =	vld [tilespmem:s1+$0x70];
	[tilespmem:v47+s17+$0x0] =	vst.idx.msk $0xffff, v55  }
0x1ca: {  	v35 =	vadd.s32 v28, v35;
	v61 =	vld [tilespmem:s1+$0xB0];
	[tilespmem:v54+s17+$0x0] =	vst.idx.msk $0xffff, v53  }
0x1cb: {  	v63 =	vadd.s32 v4, v45;
	[tilespmem:v40+s17+$0x0] =	vst.idx.msk $0xffff, v56;
	v62 =	vld [tilespmem:s1+$0xFFFFFF30];
	s1 =	sshll.u32 s22, $0x1  }
0x1cc: {  	[tilespmem:v42+s17+$0x0] =	vst.idx.msk $0xffff, v57;
	s1 =	sadd.s32 s5, s1  }
0x1cd: {  	[tilespmem:v59+s17+$0x0] =	vst.idx.msk $0xffff, v58;
	s24 =	sshll.u32 s1, $0x7  }
0x1ce: {  	[tilespmem:v38+s17+$0x0] =	vst.idx.msk $0xffff, v60;
	s1 =	sshll.u32 s1, $0xA;
	s22 =	sand.u32 $0x3F00, s24  }
0x1cf: {  	[tilespmem:v35+s17+$0x0] =	vst.idx.msk $0xffff, v61;
	s23 =	sand.u32 $0xFFE0000, s1;
	s25 =	sadd.s32 s2, s22  }
0x1d0: {  	s26 =	simm.s32 $0x12800;
	s24 =	simm.s32 $0x0;
	[tilespmem:v63+s17+$0x0] =	vst.idx.msk $0xffff, v62;
	s1 =	sadd.s32 s23, s25  }
0x1d1: {  	[hbm4b:s1+s24] =	stream.linear.scatter [tilespmem:s26], [sflag:$0x2], $0x80, $0x38;
	[tilespmem:$0x16C00] =	vst v63  }
0x1d2: {  	s31 =	simm.s32 $0x12888;
	s26 =	sadd.s32 $0x10, s1  }
0x1d3: {  	[hbm4b:s26+s24] =	stream.linear.scatter [tilespmem:s31], [sflag:$0x2], $0x80, $0x38;
	[tilespmem:$0x16C00] =	vst v63  }
0x1d4: {  	s26 =	simm.s32 $0x12910;
	s31 =	sadd.s32 $0x20, s1  }
0x1d5: {  	[hbm4b:s31+s24] =	stream.linear.scatter [tilespmem:s26], [sflag:$0x2], $0x80, $0x38;
	[tilespmem:$0x16C00] =	vst v63  }
0x1d6: {  	s26 =	simm.s32 $0x12998;
	s31 =	sadd.s32 $0x30, s1  }
0x1d7: {  	[hbm4b:s31+s24] =	stream.linear.scatter [tilespmem:s26], [sflag:$0x2], $0x80, $0x38;
	[tilespmem:$0x16C00] =	vst v63  }
0x1d8: {  	s26 =	simm.s32 $0x12A20;
	s31 =	sadd.s32 $0x40, s1  }
0x1d9: {  	[hbm4b:s31+s24] =	stream.linear.scatter [tilespmem:s26], [sflag:$0x2], $0x80, $0x38;
	[tilespmem:$0x16C00] =	vst v63  }
0x1da: {  	s28 =	simm.s32 $0x2200;
	s26 =	simm.s32 $0x12AA8;
	s31 =	sadd.s32 $0x50, s1  }
0x1db: {  	[hbm4b:s31+s24] =	stream.linear.scatter [tilespmem:s26], [sflag:$0x2], $0x80, $0x38;
	[tilespmem:$0x16C00] =	vst v63  }
0x1dc: {  	s29 =	simm.s32 $0x12BB8;
	s26 =	simm.s32 $0x12B30;
	s31 =	sadd.s32 $0x60, s1  }
0x1dd: {  	[hbm4b:s31+s24] =	stream.linear.scatter [tilespmem:s26], [sflag:$0x2], $0x80, $0x38;
	[tilespmem:$0x16C00] =	vst v63  }
0x1de: {  	s25 =	simm.s32 $0x440;
	s30 =	sadd.s32 $0x70, s1;
	s26 =	sadd.s32 $0x4000, s1  }
.LBB2_13:
0x1df: {  	[hbm4b:s30+s24] =	stream.linear.scatter [tilespmem:s29], [sflag:$0x2], $0x80, $0x38;
	[tilespmem:$0x16C00] =	vst v63  }
0x1e0: {  	s1 =	smov.u32 s25;
	s25 =	smov.u32 s28  }
0x1e1: {  	s31 =	sadd.s32 $0x1100, s28;
	s25 =	sshra.s32 s25, $0x2;
	s29 =	sadd.s32 $0x12800, s1  }
0x1e2: {  	[hbm4b:s26+s24] =	stream.linear.scatter [tilespmem:s29], [sflag:$0x2], $0x80, $0x38;
	[tilespmem:$0x16C00] =	vst v63  }
0x1e3: {  	p0 =	sne.s32 s28, $0x7700;
	s28 =	sadd.s32 $0x12888, s1;
	s29 =	sadd.s32 $0x10, s26  }
0x1e4: {  	[hbm4b:s29+s24] =	stream.linear.scatter [tilespmem:s28], [sflag:$0x2], $0x80, $0x38;
	[tilespmem:$0x16C00] =	vst v63  }
0x1e5: {  	s28 =	sadd.s32 $0x12910, s1;
	s29 =	sadd.s32 $0x20, s26  }
0x1e6: {  	[hbm4b:s29+s24] =	stream.linear.scatter [tilespmem:s28], [sflag:$0x2], $0x80, $0x38;
	[tilespmem:$0x16C00] =	vst v63  }
0x1e7: {  	s28 =	sadd.s32 $0x12998, s1;
	s29 =	sadd.s32 $0x30, s26  }
0x1e8: {  	[hbm4b:s29+s24] =	stream.linear.scatter [tilespmem:s28], [sflag:$0x2], $0x80, $0x38;
	[tilespmem:$0x16C00] =	vst v63  }
0x1e9: {  	s28 =	sadd.s32 $0x12A20, s1;
	s29 =	sadd.s32 $0x40, s26  }
0x1ea: {  	[hbm4b:s29+s24] =	stream.linear.scatter [tilespmem:s28], [sflag:$0x2], $0x80, $0x38;
	[tilespmem:$0x16C00] =	vst v63  }
.Ltmp5:
0x1eb: {  	s28 =	sadd.s32 $0x12AA8, s1;
	s29 =	sadd.s32 $0x50, s26;
	(pc) =	sbr.rel @p0 .LBB2_13-.Ltmp5, $4  }
0x1ec: {  	[hbm4b:s29+s24] =	stream.linear.scatter [tilespmem:s28], [sflag:$0x2], $0x80, $0x38;
	[tilespmem:$0x16C00] =	vst v63  }
0x1ed: {  	s30 =	sadd.s32 $0x70, s26;
	s28 =	sadd.s32 $0x12B30, s1;
	s29 =	sadd.s32 $0x60, s26  }
0x1ee: {  	[hbm4b:s29+s24] =	stream.linear.scatter [tilespmem:s28], [sflag:$0x2], $0x80, $0x38;
	[tilespmem:$0x16C00] =	vst v63  }
0x1ef: {  	s26 =	sadd.s32 $0x4000, s26;
	s29 =	sadd.s32 $0x12BB8, s1;
	s28 =	smov.u32 s31  }
0x1f0: {  	[hbm4b:s30+s24] =	stream.linear.scatter [tilespmem:s29], [sflag:$0x2], $0x80, $0x38;
	[tilespmem:$0x16C00] =	vst v63  }
0x1f1: {  	s1 =	sadd.s32 $0x12800, s25  }
0x1f2: {  	[hbm4b:s26+s24] =	stream.linear.scatter [tilespmem:s1], [sflag:$0x2], $0x80, $0x38;
	[tilespmem:$0x16C00] =	vst v63  }
0x1f3: {  	s30 =	sadd.s32 $0x12888, s25;
	s28 =	sadd.s32 $0x10, s26  }
0x1f4: {  	[hbm4b:s28+s24] =	stream.linear.scatter [tilespmem:s30], [sflag:$0x2], $0x80, $0x38;
	[tilespmem:$0x16C00] =	vst v63  }
0x1f5: {  	s31 =	sadd.s32 $0x12910, s25;
	s29 =	sadd.s32 $0x20, s26  }
0x1f6: {  	[hbm4b:s29+s24] =	stream.linear.scatter [tilespmem:s31], [sflag:$0x2], $0x80, $0x38;
	[tilespmem:$0x16C00] =	vst v63  }
0x1f7: {  	s30 =	sadd.s32 $0x12998, s25;
	s31 =	sadd.s32 $0x30, s26  }
0x1f8: {  	[hbm4b:s31+s24] =	stream.linear.scatter [tilespmem:s30], [sflag:$0x2], $0x80, $0x38;
	[tilespmem:$0x16C00] =	vst v63  }
0x1f9: {  	s29 =	sadd.s32 $0x12A20, s25;
	s30 =	sadd.s32 $0x40, s26  }
0x1fa: {  	[hbm4b:s30+s24] =	stream.linear.scatter [tilespmem:s29], [sflag:$0x2], $0x80, $0x38;
	[tilespmem:$0x16C00] =	vst v63  }
0x1fb: {  	s31 =	sadd.s32 $0x12AA8, s25;
	s29 =	sadd.s32 $0x50, s26  }
0x1fc: {  	[hbm4b:s29+s24] =	stream.linear.scatter [tilespmem:s31], [sflag:$0x2], $0x80, $0x38;
	[tilespmem:$0x16C00] =	vst v63  }
0x1fd: {  	v34 =	vmov s24;
	s28 =	simm.s32 $0x6;
	s29 =	simm.s32 $0x1  }
0x1fe: {  	v34 =	vshrl.u32 v34, $0x3;
	v40 =	vmov s28;
	s30 =	sadd.s32 $0x12B30, s25;
	s31 =	sadd.s32 $0x60, s26;
	v33 =	vmov s29;
	s29 =	simm.s32 $0x4  }
0x1ff: {  	v34 =	vshll.u32 v34, v1;
	v40 =	vshrl.u32 v40, $0x3;
	[hbm4b:s31+s24] =	stream.linear.scatter [tilespmem:s30], [sflag:$0x2], $0x80, $0x38;
	[tilespmem:$0x16C00] =	vst v63  }
0x200: {  	s30 =	simm.s32 $0x2;
	s31 =	simm.s32 $0x3;
	v37 =	vmov s29;
	v41 =	vshrl.u32 v33, $0x3;
	v33 =	vbroadcast v34, $0x0  }
0x201: {  	v35 =	vmov s30;
	v36 =	vmov s31;
	s30 =	simm.s32 $0x7;
	s31 =	simm.s32 $0x5;
	v37 =	vshrl.u32 v37, $0x3  }
0x202: {  	s29 =	sadd.s32 $0x12BB8, s25;
	v61 =	vshll.u32 v41, v1;
	v38 =	vmov s30;
	v39 =	vmov s31;
	s30 =	sadd.s32 $0x70, s26  }
0x203: {  	v35 =	vshrl.u32 v35, $0x3;
	v36 =	vshrl.u32 v36, $0x3;
	v38 =	vshrl.u32 v38, $0x3;
	[hbm4b:s30+s24] =	stream.linear.scatter [tilespmem:s29], [sflag:$0x2], $0x80, $0x38;
	[tilespmem:$0x16C00] =	vst v63  }
0x204: {  	v45 =	vbroadcast v61, $0x0;
	v44 =	vadd.s32 v0, v33;
	s24 =	simm.s32 $0xC500;
	v60 =	vshll.u32 v38, v1  }
0x205: {  	v54 =	vshll.u32 v37, v1;
	v62 =	vshll.u32 v35, v1;
	v43 =	vld [tilespmem:s24+$0xFFFFFF00];
	v38 =	vbroadcast v60, $0x0  }
0x206: {  	v53 =	vshll.u32 v36, v1;
	v34 =	vbroadcast v54, $0x0;
	v46 =	vld [tilespmem:s24+$0xFFFFFF40];
	v47 =	vadd.s32 v5, v45  }
0x207: {  	v55 =	vshrl.u32 v39, $0x3;
	v63 =	vld [tilespmem:s24+$0xC0];
	v52 =	vbroadcast v62, $0x0;
	v42 =	vadd.s32 v29, v38  }
0x208: {  	v35 =	vbroadcast v53, $0x0;
	v36 =	vshll.u32 v55, v1;
	v51 =	vld [tilespmem:s24+$0x0];
	v53 =	vadd.s32 v17, v34  }
0x209: {  	v56 =	vshll.u32 v40, v1;
	v48 =	vld [tilespmem:s24+$0xFFFFFF80];
	v37 =	vbroadcast v36, $0x0;
	v49 =	vadd.s32 v9, v52  }
0x20a: {  	v39 =	vld [tilespmem:s24+$0xFFFFFFC0];
	v36 =	vbroadcast v56, $0x0;
	v50 =	vadd.s32 v13, v35;
	[tilespmem:v44+s18+$0x0] =	vst.idx.msk $0xffff, v43  }
0x20b: {  	v59 =	vld [tilespmem:s24+$0x40];
	v60 =	vadd.s32 v21, v37;
	[tilespmem:v47+s18+$0x0] =	vst.idx.msk $0xffff, v46  }
0x20c: {  	v61 =	vld [tilespmem:s24+$0x80];
	v62 =	vadd.s32 v25, v36;
	[tilespmem:v42+s18+$0x0] =	vst.idx.msk $0xffff, v63  }
0x20d: {  	v58 =	vadd.s32 v30, v38;
	[tilespmem:v53+s18+$0x0] =	vst.idx.msk $0xffff, v51;
	v57 =	vld [tilespmem:s24+$0xD0]  }
0x20e: {  	v47 =	vld [tilespmem:s24+$0xFFFFFF50];
	[tilespmem:v49+s18+$0x0] =	vst.idx.msk $0xffff, v48;
	v63 =	vadd.s32 v6, v45  }
0x20f: {  	v55 =	vadd.s32 v10, v52;
	[tilespmem:v50+s18+$0x0] =	vst.idx.msk $0xffff, v39;
	v54 =	vld [tilespmem:s24+$0xFFFFFF90]  }
0x210: {  	v56 =	vadd.s32 v14, v35;
	v50 =	vld [tilespmem:s24+$0xFFFFFFD0];
	[tilespmem:v60+s18+$0x0] =	vst.idx.msk $0xffff, v59  }
0x211: {  	[tilespmem:v62+s18+$0x0] =	vst.idx.msk $0xffff, v61;
	v61 =	vld [tilespmem:s24+$0xFFFFFF10];
	v62 =	vadd.s32 v2, v33  }
0x212: {  	v59 =	vadd.s32 v18, v34;
	[tilespmem:v58+s18+$0x0] =	vst.idx.msk $0xffff, v57;
	v58 =	vld [tilespmem:s24+$0x10]  }
0x213: {  	[tilespmem:v63+s18+$0x0] =	vst.idx.msk $0xffff, v47;
	v57 =	vadd.s32 v31, v38;
	v40 =	vld [tilespmem:s24+$0xE0]  }
0x214: {  	v60 =	vadd.s32 v26, v36;
	[tilespmem:v55+s18+$0x0] =	vst.idx.msk $0xffff, v54;
	v63 =	vld [tilespmem:s24+$0x90]  }
0x215: {  	v46 =	vadd.s32 v22, v37;
	v44 =	vld [tilespmem:s24+$0x50];
	[tilespmem:v56+s18+$0x0] =	vst.idx.msk $0xffff, v50  }
0x216: {  	v51 =	vadd.s32 v7, v45;
	[tilespmem:v62+s18+$0x0] =	vst.idx.msk $0xffff, v61;
	v50 =	vld [tilespmem:s24+$0xFFFFFF60]  }
0x217: {  	v56 =	vadd.s32 v11, v52;
	v55 =	vld [tilespmem:s24+$0xFFFFFFA0];
	[tilespmem:v59+s18+$0x0] =	vst.idx.msk $0xffff, v58  }
0x218: {  	v58 =	vadd.s32 v15, v35;
	[tilespmem:v57+s18+$0x0] =	vst.idx.msk $0xffff, v40;
	v57 =	vld [tilespmem:s24+$0xFFFFFFE0]  }
0x219: {  	[tilespmem:v60+s18+$0x0] =	vst.idx.msk $0xffff, v63;
	v60 =	vadd.s32 v19, v34;
	v59 =	vld [tilespmem:s24+$0x20]  }
0x21a: {  	v38 =	vadd.s32 v32, v38;
	[tilespmem:v46+s18+$0x0] =	vst.idx.msk $0xffff, v44;
	v54 =	vld [tilespmem:s24+$0xF0]  }
0x21b: {  	s25 =	simm.s32 $0x9;
	s31 =	simm.s32 $0x8;
	v41 =	vadd.s32 v23, v37;
	v43 =	vadd.s32 v27, v36;
	[tilespmem:v51+s18+$0x0] =	vst.idx.msk $0xffff, v50;
	v40 =	vld [tilespmem:s24+$0x60]  }
0x21c: {  	s28 =	simm.s32 $0xB;
	s29 =	simm.s32 $0xC;
	v53 =	vmov s25;
	v48 =	vadd.s32 v3, v33;
	v63 =	vmov s31;
	v42 =	vld [tilespmem:s24+$0xA0];
	[tilespmem:v56+s18+$0x0] =	vst.idx.msk $0xffff, v55  }
0x21d: {  	v47 =	vmov s29;
	v44 =	vmov s28;
	v46 =	vld [tilespmem:s24+$0xFFFFFF20];
	s31 =	simm.s32 $0xE;
	v39 =	vshrl.u32 v63, $0x3;
	[tilespmem:v58+s18+$0x0] =	vst.idx.msk $0xffff, v57  }
0x21e: {  	s26 =	simm.s32 $0xA;
	s30 =	simm.s32 $0xD;
	v51 =	vadd.s32 v8, v45;
	v49 =	vld [tilespmem:s24+$0xFFFFFF70];
	v45 =	vshll.u32 v39, v1;
	v39 =	vmov s31;
	[tilespmem:v60+s18+$0x0] =	vst.idx.msk $0xffff, v59  }
0x21f: {  	s25 =	simm.s32 $0x10;
	v52 =	vadd.s32 v12, v52;
	v50 =	vld [tilespmem:s24+$0xFFFFFFB0];
	[tilespmem:v38+s18+$0x0] =	vst.idx.msk $0xffff, v54;
	v54 =	vmov s26;
	v38 =	vmov s30;
	s26 =	simm.s32 $0xF  }
.LBB2_15:
0x220: {  	p0 =	slt.u32 s25, $0x78;
	v53 =	vshrl.u32 v53, $0x3;
	v55 =	vmov s26;
	v56 =	vld [tilespmem:s24+$0xFFFFFFF0];
	v35 =	vadd.s32 v16, v35;
	[tilespmem:v41+s18+$0x0] =	vst.idx.msk $0xffff, v40  }
0x221: {  	v40 =	vshrl.u32 v54, $0x3;
	v34 =	vadd.s32 v20, v34;
	v41 =	vshrl.u32 v55, $0x3;
	v54 =	vld [tilespmem:s24+$0x30];
	[tilespmem:v43+s18+$0x0] =	vst.idx.msk $0xffff, v42  }
0x222: {  	v37 =	vadd.s32 v24, v37;
	v42 =	vshrl.u32 v44, $0x3;
	v41 =	vshll.u32 v41, v1;
	[tilespmem:v48+s18+$0x0] =	vst.idx.msk $0xffff, v46;
	v43 =	vld [tilespmem:s24+$0x70]  }
0x223: {  	v36 =	vadd.s32 v28, v36;
	v44 =	vshrl.u32 v47, $0x3;
	v41 =	vbroadcast v41, $0x0;
	[tilespmem:v51+s18+$0x0] =	vst.idx.msk $0xffff, v49;
	v46 =	vld [tilespmem:s24+$0xB0]  }
0x224: {  	v47 =	vshll.u32 v53, v1;
	v49 =	vadd.s32 v4, v33;
	v33 =	vbroadcast v45, $0x0;
	v48 =	vld [tilespmem:s24+$0xFFFFFF30];
	[tilespmem:v52+s18+$0x0] =	vst.idx.msk $0xffff, v50;
	s24 =	sadd.s32 $0x200, s24  }
0x225: {  	v40 =	vshll.u32 v40, v1;
	v45 =	vbroadcast v47, $0x0;
	v47 =	vld [tilespmem:s24+$0xC0];
	v50 =	vadd.s32 v29, v41;
	[tilespmem:v35+s18+$0x0] =	vst.idx.msk $0xffff, v56  }
0x226: {  	v55 =	vbroadcast v40, $0x0;
	v52 =	vadd.s32 v0, v33;
	v35 =	vshll.u32 v42, v1;
	v51 =	vld [tilespmem:s24+$0xFFFFFF00];
	[tilespmem:v34+s18+$0x0] =	vst.idx.msk $0xffff, v54  }
0x227: {  	v42 =	vadd.s32 v5, v45;
	v35 =	vbroadcast v35, $0x0;
	v34 =	vshll.u32 v44, v1;
	v40 =	vld [tilespmem:s24+$0xFFFFFF40];
	[tilespmem:v37+s18+$0x0] =	vst.idx.msk $0xffff, v43  }
0x228: {  	v44 =	vadd.s32 v9, v55;
	v34 =	vbroadcast v34, $0x0;
	v37 =	vshrl.u32 v38, $0x3;
	v43 =	vld [tilespmem:s24+$0xFFFFFF80];
	[tilespmem:v36+s18+$0x0] =	vst.idx.msk $0xffff, v46  }
0x229: {  	v39 =	vshrl.u32 v39, $0x3;
	v46 =	vadd.s32 v13, v35;
	v36 =	vshll.u32 v37, v1;
	v38 =	vld [tilespmem:s24+$0xFFFFFFC0];
	[tilespmem:v49+s18+$0x0] =	vst.idx.msk $0xffff, v48  }
0x22a: {  	v49 =	vadd.s32 v17, v34;
	v37 =	vbroadcast v36, $0x0;
	v36 =	vshll.u32 v39, v1;
	v48 =	vld [tilespmem:s24+$0x0];
	[tilespmem:v50+s18+$0x0] =	vst.idx.msk $0xffff, v47  }
0x22b: {  	v36 =	vbroadcast v36, $0x0;
	v47 =	vadd.s32 v30, v41;
	[tilespmem:v52+s18+$0x0] =	vst.idx.msk $0xffff, v51;
	v39 =	vld [tilespmem:s24+$0xD0]  }
0x22c: {  	[tilespmem:v42+s18+$0x0] =	vst.idx.msk $0xffff, v40;
	v40 =	vld [tilespmem:s24+$0x40];
	v42 =	vadd.s32 v21, v37  }
0x22d: {  	[tilespmem:v44+s18+$0x0] =	vst.idx.msk $0xffff, v43;
	v43 =	vld [tilespmem:s24+$0x80];
	v44 =	vadd.s32 v25, v36  }
0x22e: {  	v51 =	vadd.s32 v6, v45;
	v50 =	vld [tilespmem:s24+$0xFFFFFF50];
	[tilespmem:v46+s18+$0x0] =	vst.idx.msk $0xffff, v38  }
0x22f: {  	v46 =	vadd.s32 v10, v55;
	v38 =	vld [tilespmem:s24+$0xFFFFFF90];
	[tilespmem:v49+s18+$0x0] =	vst.idx.msk $0xffff, v48  }
0x230: {  	v49 =	vadd.s32 v14, v35;
	v48 =	vld [tilespmem:s24+$0xFFFFFFD0];
	[tilespmem:v47+s18+$0x0] =	vst.idx.msk $0xffff, v39  }
0x231: {  	[tilespmem:v42+s18+$0x0] =	vst.idx.msk $0xffff, v40;
	v39 =	vld [tilespmem:s24+$0xE0];
	v40 =	vadd.s32 v31, v41  }
0x232: {  	v47 =	vadd.s32 v18, v34;
	v42 =	vld [tilespmem:s24+$0x10];
	[tilespmem:v44+s18+$0x0] =	vst.idx.msk $0xffff, v43  }
0x233: {  	v44 =	vadd.s32 v22, v37;
	[tilespmem:v51+s18+$0x0] =	vst.idx.msk $0xffff, v50;
	v43 =	vld [tilespmem:s24+$0x50]  }
0x234: {  	[tilespmem:v46+s18+$0x0] =	vst.idx.msk $0xffff, v38;
	v38 =	vld [tilespmem:s24+$0x90];
	v46 =	vadd.s32 v26, v36  }
0x235: {  	v51 =	vadd.s32 v2, v33;
	v50 =	vld [tilespmem:s24+$0xFFFFFF10];
	[tilespmem:v49+s18+$0x0] =	vst.idx.msk $0xffff, v48  }
0x236: {  	v49 =	vadd.s32 v7, v45;
	v48 =	vld [tilespmem:s24+$0xFFFFFF60];
	[tilespmem:v40+s18+$0x0] =	vst.idx.msk $0xffff, v39  }
0x237: {  	[tilespmem:v47+s18+$0x0] =	vst.idx.msk $0xffff, v42;
	v39 =	vld [tilespmem:s24+$0xF0];
	v47 =	vadd.s32 v32, v41  }
0x238: {  	v56 =	vadd.s32 v11, v55;
	v52 =	vld [tilespmem:s24+$0xFFFFFFA0];
	[tilespmem:v44+s18+$0x0] =	vst.idx.msk $0xffff, v43  }
0x239: {  	v58 =	vadd.s32 v15, v35;
	v57 =	vld [tilespmem:s24+$0xFFFFFFE0];
	[tilespmem:v46+s18+$0x0] =	vst.idx.msk $0xffff, v38  }
0x23a: {  	v60 =	vadd.s32 v19, v34;
	[tilespmem:v51+s18+$0x0] =	vst.idx.msk $0xffff, v50;
	v59 =	vld [tilespmem:s24+$0x20]  }
.Ltmp6:
0x23b: {  	s1 =	sadd.s32 $0x1, s25;
	v41 =	vadd.s32 v23, v37;
	v38 =	vmov s25;
	[tilespmem:v49+s18+$0x0] =	vst.idx.msk $0xffff, v48;
	v40 =	vld [tilespmem:s24+$0x60];
	(pc) =	sbr.rel @p0 .LBB2_15-.Ltmp6, $4  }
0x23c: {  	s26 =	sadd.s32 $0x3, s25;
	v53 =	vmov s1;
	s1 =	sadd.s32 $0x2, s25;
	v43 =	vadd.s32 v27, v36;
	v50 =	vshrl.u32 v38, $0x3;
	v42 =	vld [tilespmem:s24+$0xA0];
	[tilespmem:v47+s18+$0x0] =	vst.idx.msk $0xffff, v39  }
0x23d: {  	v54 =	vmov s1;
	s1 =	sadd.s32 $0x4, s25;
	v44 =	vmov s26;
	s26 =	sadd.s32 $0x5, s25;
	v48 =	vadd.s32 v3, v33;
	v46 =	vld [tilespmem:s24+$0xFFFFFF20];
	[tilespmem:v56+s18+$0x0] =	vst.idx.msk $0xffff, v52  }
0x23e: {  	v38 =	vmov s26;
	v51 =	vadd.s32 v8, v45;
	v47 =	vmov s1;
	s1 =	sadd.s32 $0x6, s25;
	v49 =	vld [tilespmem:s24+$0xFFFFFF70];
	[tilespmem:v58+s18+$0x0] =	vst.idx.msk $0xffff, v57  }
0x23f: {  	s26 =	sadd.s32 $0x7, s25;
	v45 =	vshll.u32 v50, v1;
	s25 =	sadd.s32 $0x8, s25;
	v39 =	vmov s1;
	v52 =	vadd.s32 v12, v55;
	v50 =	vld [tilespmem:s24+$0xFFFFFFB0];
	[tilespmem:v60+s18+$0x0] =	vst.idx.msk $0xffff, v59  }
0x240: {  	_ =	sdelay $0x2  }
0x241: {  	v53 =	vshrl.u32 v53, $0x3  }
0x242: {  	v55 =	vmov s26;
	v56 =	vld [tilespmem:s24+$0xFFFFFFF0];
	v35 =	vadd.s32 v16, v35;
	[tilespmem:v41+s18+$0x0] =	vst.idx.msk $0xffff, v40;
	v57 =	vshrl.u32 v54, $0x3  }
0x243: {  	v59 =	vld [tilespmem:s24+$0x30];
	v34 =	vadd.s32 v20, v34;
	v60 =	vshrl.u32 v44, $0x3;
	v58 =	vshrl.u32 v55, $0x3;
	[tilespmem:v43+s18+$0x0] =	vst.idx.msk $0xffff, v42  }
0x244: {  	v37 =	vadd.s32 v24, v37;
	v62 =	vshrl.u32 v47, $0x3;
	v61 =	vld [tilespmem:s24+$0x70];
	v41 =	vshll.u32 v58, v1;
	[tilespmem:v48+s18+$0x0] =	vst.idx.msk $0xffff, v46  }
0x245: {  	v36 =	vadd.s32 v28, v36;
	v45 =	vbroadcast v45, $0x0;
	v63 =	vld [tilespmem:s24+$0xB0];
	v41 =	vbroadcast v41, $0x0;
	[tilespmem:v51+s18+$0x0] =	vst.idx.msk $0xffff, v49  }
0x246: {  	v33 =	vadd.s32 v4, v33;
	s25 =	sadd.s32 $0x200, s24;
	v38 =	vshrl.u32 v38, $0x3;
	v55 =	vshll.u32 v53, v1;
	v48 =	vld [tilespmem:s24+$0xFFFFFF30];
	[tilespmem:v52+s18+$0x0] =	vst.idx.msk $0xffff, v50  }
0x247: {  	v40 =	vshll.u32 v57, v1;
	v47 =	vbroadcast v55, $0x0;
	v49 =	vld [tilespmem:s25+$0xC0];
	v50 =	vadd.s32 v29, v41;
	[tilespmem:v35+s18+$0x0] =	vst.idx.msk $0xffff, v56  }
0x248: {  	v42 =	vshll.u32 v60, v1;
	v40 =	vbroadcast v40, $0x0;
	v35 =	vld [tilespmem:s25+$0xFFFFFF00];
	v56 =	vadd.s32 v0, v45;
	[tilespmem:v34+s18+$0x0] =	vst.idx.msk $0xffff, v59  }
0x249: {  	v57 =	vld [tilespmem:s25+$0xFFFFFF40];
	v44 =	vshll.u32 v62, v1;
	v42 =	vbroadcast v42, $0x0;
	v58 =	vadd.s32 v5, v47;
	[tilespmem:v37+s18+$0x0] =	vst.idx.msk $0xffff, v61  }
0x24a: {  	v38 =	vshll.u32 v38, v1;
	v44 =	vbroadcast v44, $0x0;
	v60 =	vadd.s32 v9, v40;
	v59 =	vld [tilespmem:s25+$0xFFFFFF80];
	[tilespmem:v36+s18+$0x0] =	vst.idx.msk $0xffff, v63  }
0x24b: {  	v38 =	vbroadcast v38, $0x0;
	v62 =	vadd.s32 v13, v42;
	v61 =	vld [tilespmem:s25+$0xFFFFFFC0];
	[tilespmem:v33+s18+$0x0] =	vst.idx.msk $0xffff, v48  }
0x24c: {  	v39 =	vshrl.u32 v39, $0x3;
	v63 =	vadd.s32 v17, v44;
	v33 =	vld [tilespmem:s25+$0x0];
	[tilespmem:v50+s18+$0x0] =	vst.idx.msk $0xffff, v49  }
0x24d: {  	v39 =	vshll.u32 v39, v1;
	v34 =	vld [tilespmem:s25+$0x40];
	[tilespmem:v56+s18+$0x0] =	vst.idx.msk $0xffff, v35;
	v56 =	vadd.s32 v21, v38  }
0x24e: {  	[tilespmem:v58+s18+$0x0] =	vst.idx.msk $0xffff, v57;
	v35 =	vbroadcast v39, $0x0;
	v49 =	vadd.s32 v30, v41;
	v39 =	vld [tilespmem:s25+$0xD0]  }
0x24f: {  	[tilespmem:v60+s18+$0x0] =	vst.idx.msk $0xffff, v59;
	v59 =	vld [tilespmem:s25+$0xFFFFFF50];
	v60 =	vadd.s32 v6, v47  }
0x250: {  	v57 =	vld [tilespmem:s25+$0x80];
	[tilespmem:v62+s18+$0x0] =	vst.idx.msk $0xffff, v61;
	v58 =	vadd.s32 v25, v35  }
0x251: {  	v61 =	vld [tilespmem:s25+$0xFFFFFF90];
	v62 =	vadd.s32 v10, v40;
	[tilespmem:v63+s18+$0x0] =	vst.idx.msk $0xffff, v33  }
0x252: {  	v33 =	vld [tilespmem:s25+$0xFFFFFFD0];
	v63 =	vadd.s32 v14, v42;
	[tilespmem:v56+s18+$0x0] =	vst.idx.msk $0xffff, v34  }
0x253: {  	v56 =	vadd.s32 v18, v44;
	[tilespmem:v49+s18+$0x0] =	vst.idx.msk $0xffff, v39;
	v49 =	vld [tilespmem:s25+$0x10]  }
0x254: {  	[tilespmem:v60+s18+$0x0] =	vst.idx.msk $0xffff, v59;
	v39 =	vadd.s32 v31, v41;
	v34 =	vld [tilespmem:s25+$0xE0]  }
0x255: {  	[tilespmem:v58+s18+$0x0] =	vst.idx.msk $0xffff, v57;
	v57 =	vld [tilespmem:s25+$0x50];
	v58 =	vadd.s32 v22, v38  }
0x256: {  	[tilespmem:v62+s18+$0x0] =	vst.idx.msk $0xffff, v61;
	v61 =	vld [tilespmem:s25+$0xFFFFFF10];
	v62 =	vadd.s32 v2, v45  }
0x257: {  	v60 =	vadd.s32 v26, v35;
	v59 =	vld [tilespmem:s25+$0x90];
	[tilespmem:v63+s18+$0x0] =	vst.idx.msk $0xffff, v33  }
0x258: {  	v55 =	vadd.s32 v11, v40;
	v54 =	vadd.s32 v32, v41;
	v41 =	vld [tilespmem:s25+$0xFFFFFFA0];
	[tilespmem:v56+s18+$0x0] =	vst.idx.msk $0xffff, v49  }
0x259: {  	v53 =	vadd.s32 v7, v47;
	v63 =	vld [tilespmem:s25+$0xFFFFFF60];
	[tilespmem:v39+s18+$0x0] =	vst.idx.msk $0xffff, v34  }
0x25a: {  	v56 =	vld [tilespmem:s25+$0xFFFFFFE0];
	[tilespmem:v58+s18+$0x0] =	vst.idx.msk $0xffff, v57;
	v57 =	vadd.s32 v15, v42  }
0x25b: {  	[tilespmem:v62+s18+$0x0] =	vst.idx.msk $0xffff, v61;
	v34 =	vld [tilespmem:s25+$0xF0]  }
0x25c: {  	v58 =	vld [tilespmem:s25+$0x20];
	[tilespmem:v60+s18+$0x0] =	vst.idx.msk $0xffff, v59;
	v59 =	vadd.s32 v19, v44  }
0x25d: {  	v61 =	vadd.s32 v23, v38;
	[tilespmem:v55+s18+$0x0] =	vst.idx.msk $0xffff, v41;
	v60 =	vld [tilespmem:s25+$0x60]  }
0x25e: {  	[tilespmem:v53+s18+$0x0] =	vst.idx.msk $0xffff, v63;
	v63 =	vadd.s32 v27, v35;
	v62 =	vld [tilespmem:s25+$0xA0]  }
0x25f: {  	v47 =	vadd.s32 v8, v47;
	v55 =	vld [tilespmem:s25+$0xFFFFFF70];
	[tilespmem:v57+s18+$0x0] =	vst.idx.msk $0xffff, v56  }
0x260: {  	v53 =	vld [tilespmem:s25+$0xFFFFFF20];
	[tilespmem:v54+s18+$0x0] =	vst.idx.msk $0xffff, v34;
	v54 =	vadd.s32 v3, v45  }
0x261: {  	v40 =	vadd.s32 v12, v40;
	v56 =	vld [tilespmem:s25+$0xFFFFFFB0];
	[tilespmem:v59+s18+$0x0] =	vst.idx.msk $0xffff, v58  }
0x262: {  	v42 =	vadd.s32 v16, v42;
	v57 =	vld [tilespmem:s25+$0xFFFFFFF0];
	[tilespmem:v61+s18+$0x0] =	vst.idx.msk $0xffff, v60  }
0x263: {  	v59 =	vadd.s32 v20, v44;
	v58 =	vld [tilespmem:s25+$0x30];
	[tilespmem:v63+s18+$0x0] =	vst.idx.msk $0xffff, v62  }
0x264: {  	v38 =	vadd.s32 v24, v38;
	v60 =	vld [tilespmem:s25+$0x70];
	[tilespmem:v47+s18+$0x0] =	vst.idx.msk $0xffff, v55  }
0x265: {  	v35 =	vadd.s32 v28, v35;
	v61 =	vld [tilespmem:s25+$0xB0];
	[tilespmem:v54+s18+$0x0] =	vst.idx.msk $0xffff, v53  }
0x266: {  	v63 =	vadd.s32 v4, v45;
	[tilespmem:v40+s18+$0x0] =	vst.idx.msk $0xffff, v56;
	v62 =	vld [tilespmem:s25+$0xFFFFFF30]  }
0x267: {  	[tilespmem:v42+s18+$0x0] =	vst.idx.msk $0xffff, v57  }
0x268: {  	[tilespmem:v59+s18+$0x0] =	vst.idx.msk $0xffff, v58  }
0x269: {  	s1 =	sadd.s32 s2, s23;
	[tilespmem:v38+s18+$0x0] =	vst.idx.msk $0xffff, v60  }
0x26a: {  	s1 =	sadd.s32 s22, s1;
	[tilespmem:v35+s18+$0x0] =	vst.idx.msk $0xffff, v61  }
0x26b: {  	s26 =	simm.s32 $0x14A00;
	s1 =	sadd.s32 $0x80, s1;
	[tilespmem:v63+s18+$0x0] =	vst.idx.msk $0xffff, v62  }
0x26c: {  	[hbm4b:s1+s3] =	stream.linear.scatter [tilespmem:s26], [sflag:$0x2], $0x80, $0x38;
	[tilespmem:$0x16C00] =	vst v63  }
0x26d: {  	s28 =	simm.s32 $0x14A88;
	s29 =	sadd.s32 $0x10, s1  }
0x26e: {  	[hbm4b:s29+s3] =	stream.linear.scatter [tilespmem:s28], [sflag:$0x2], $0x80, $0x38;
	[tilespmem:$0x16C00] =	vst v63  }
0x26f: {  	s30 =	simm.s32 $0x14B10;
	s23 =	simm.s32 $0x14B98;
	s31 =	sadd.s32 $0x20, s1  }
0x270: {  	[hbm4b:s31+s3] =	stream.linear.scatter [tilespmem:s30], [sflag:$0x2], $0x80, $0x38;
	[tilespmem:$0x16C00] =	vst v63  }
0x271: {  	s22 =	simm.s32 $0x440;
	s24 =	sadd.s32 $0x30, s1;
	s25 =	simm.s32 $0x14C20  }
0x272: {  	[hbm4b:s24+s3] =	stream.linear.scatter [tilespmem:s23], [sflag:$0x2], $0x80, $0x38;
	[tilespmem:$0x16C00] =	vst v63  }
0x273: {  	s26 =	sadd.s32 $0x40, s1;
	s28 =	simm.s32 $0x14CA8;
	s29 =	sadd.s32 $0x50, s1  }
0x274: {  	[hbm4b:s26+s3] =	stream.linear.scatter [tilespmem:s25], [sflag:$0x2], $0x80, $0x38;
	[tilespmem:$0x16C00] =	vst v63  }
0x275: {  	s30 =	simm.s32 $0x14D30;
	s31 =	sadd.s32 $0x60, s1;
	s24 =	simm.s32 $0x2200  }
0x276: {  	[hbm4b:s29+s3] =	stream.linear.scatter [tilespmem:s28], [sflag:$0x2], $0x80, $0x38;
	[tilespmem:$0x16C00] =	vst v63  }
0x277: {  	s23 =	sadd.s32 $0x4000, s1;
	s25 =	simm.s32 $0x14DB8;
	s26 =	sadd.s32 $0x70, s1  }
0x278: {  	[hbm4b:s31+s3] =	stream.linear.scatter [tilespmem:s30], [sflag:$0x2], $0x80, $0x38;
	[tilespmem:$0x16C00] =	vst v63  }
.LBB2_17:
0x279: {  	[hbm4b:s26+s3] =	stream.linear.scatter [tilespmem:s25], [sflag:$0x2], $0x80, $0x38;
	[tilespmem:$0x16C00] =	vst v63  }
0x27a: {  	s1 =	smov.u32 s22;
	s22 =	smov.u32 s24  }
0x27b: {  	s28 =	sadd.s32 $0x1100, s24;
	s22 =	sshra.s32 s22, $0x2;
	s25 =	sadd.s32 $0x14A00, s1  }
0x27c: {  	[hbm4b:s23+s3] =	stream.linear.scatter [tilespmem:s25], [sflag:$0x2], $0x80, $0x38;
	[tilespmem:$0x16C00] =	vst v63  }
0x27d: {  	p0 =	sne.s32 s24, $0x7700;
	s24 =	sadd.s32 $0x14A88, s1;
	s25 =	sadd.s32 $0x10, s23  }
0x27e: {  	[hbm4b:s25+s3] =	stream.linear.scatter [tilespmem:s24], [sflag:$0x2], $0x80, $0x38;
	[tilespmem:$0x16C00] =	vst v63  }
0x27f: {  	s24 =	sadd.s32 $0x14B10, s1;
	s25 =	sadd.s32 $0x20, s23  }
0x280: {  	[hbm4b:s25+s3] =	stream.linear.scatter [tilespmem:s24], [sflag:$0x2], $0x80, $0x38;
	[tilespmem:$0x16C00] =	vst v63  }
0x281: {  	s24 =	sadd.s32 $0x14B98, s1;
	s25 =	sadd.s32 $0x30, s23  }
0x282: {  	[hbm4b:s25+s3] =	stream.linear.scatter [tilespmem:s24], [sflag:$0x2], $0x80, $0x38;
	[tilespmem:$0x16C00] =	vst v63  }
0x283: {  	s24 =	sadd.s32 $0x14C20, s1;
	s25 =	sadd.s32 $0x40, s23  }
0x284: {  	[hbm4b:s25+s3] =	stream.linear.scatter [tilespmem:s24], [sflag:$0x2], $0x80, $0x38;
	[tilespmem:$0x16C00] =	vst v63  }
.Ltmp7:
0x285: {  	s24 =	sadd.s32 $0x14CA8, s1;
	s25 =	sadd.s32 $0x50, s23;
	(pc) =	sbr.rel @p0 .LBB2_17-.Ltmp7, $4  }
0x286: {  	[hbm4b:s25+s3] =	stream.linear.scatter [tilespmem:s24], [sflag:$0x2], $0x80, $0x38;
	[tilespmem:$0x16C00] =	vst v63  }
0x287: {  	s26 =	sadd.s32 $0x70, s23;
	s24 =	sadd.s32 $0x14D30, s1;
	s25 =	sadd.s32 $0x60, s23  }
0x288: {  	[hbm4b:s25+s3] =	stream.linear.scatter [tilespmem:s24], [sflag:$0x2], $0x80, $0x38;
	[tilespmem:$0x16C00] =	vst v63  }
0x289: {  	s23 =	sadd.s32 $0x4000, s23;
	s25 =	sadd.s32 $0x14DB8, s1;
	s24 =	smov.u32 s28  }
0x28a: {  	[hbm4b:s26+s3] =	stream.linear.scatter [tilespmem:s25], [sflag:$0x2], $0x80, $0x38;
	[tilespmem:$0x16C00] =	vst v63  }
0x28b: {  	s1 =	sadd.s32 $0x14A00, s22  }
0x28c: {  	[hbm4b:s23+s3] =	stream.linear.scatter [tilespmem:s1], [sflag:$0x2], $0x80, $0x38;
	[tilespmem:$0x16C00] =	vst v63  }
0x28d: {  	s31 =	sadd.s32 $0x14A88, s22;
	s24 =	sadd.s32 $0x10, s23  }
0x28e: {  	[hbm4b:s24+s3] =	stream.linear.scatter [tilespmem:s31], [sflag:$0x2], $0x80, $0x38;
	[tilespmem:$0x16C00] =	vst v63  }
0x28f: {  	s25 =	sadd.s32 $0x14B10, s22;
	s26 =	sadd.s32 $0x20, s23  }
0x290: {  	[hbm4b:s26+s3] =	stream.linear.scatter [tilespmem:s25], [sflag:$0x2], $0x80, $0x38;
	[tilespmem:$0x16C00] =	vst v63  }
0x291: {  	s28 =	sadd.s32 $0x14B98, s22;
	s29 =	sadd.s32 $0x30, s23  }
0x292: {  	[hbm4b:s29+s3] =	stream.linear.scatter [tilespmem:s28], [sflag:$0x2], $0x80, $0x38;
	[tilespmem:$0x16C00] =	vst v63  }
0x293: {  	s30 =	sadd.s32 $0x14C20, s22;
	s21 =	sadd.s32 $0x1, s21;
	s31 =	sadd.s32 $0x40, s23  }
0x294: {  	[hbm4b:s31+s3] =	stream.linear.scatter [tilespmem:s30], [sflag:$0x2], $0x80, $0x38;
	[tilespmem:$0x16C00] =	vst v63  }
0x295: {  	p0 =	sne.s32 s21, $0x32;
	s25 =	sadd.s32 $0x14CA8, s22;
	s26 =	sadd.s32 $0x50, s23  }
0x296: {  	[hbm4b:s26+s3] =	stream.linear.scatter [tilespmem:s25], [sflag:$0x2], $0x80, $0x38;
	[tilespmem:$0x16C00] =	vst v63  }
.Ltmp8:
0x297: {  	_ = 	snop;
	(pc) =	sbr.rel @p0 .LBB2_2-.Ltmp8, $4  }
0x298: {  	s28 =	sadd.s32 $0x14D30, s22;
	s29 =	sadd.s32 $0x60, s23  }
0x299: {  	[hbm4b:s29+s3] =	stream.linear.scatter [tilespmem:s28], [sflag:$0x2], $0x80, $0x38;
	[tilespmem:$0x16C00] =	vst v63  }
0x29a: {  	s30 =	sadd.s32 $0x14DB8, s22;
	s31 =	sadd.s32 $0x70, s23  }
0x29b: {  	[hbm4b:s31+s3] =	stream.linear.scatter [tilespmem:s30], [sflag:$0x2], $0x80, $0x38;
	[tilespmem:$0x16C00] =	vst v63  }
0x29c: {  	_ =	swait.ge [sflag:s19], $0x2000  }
0x29d: {  	[sflag:s19] =	ssyncset.done $0x0  }
0x29e: {  	[sflag:s19] =	ssyncadd.s32 $0xFFFFE000  }
0x29f: {  	_ =	swait.ge [sflag:s19], $0x2000  }
0x2a0: {  	[sflag:s19] =	ssyncset.done $0x0  }
0x2a1: {  	s20 =	sadd.s32 $0x1, s20;
	[sflag:s19] =	ssyncadd.s32 $0xFFFFE000  }
0x2a2: {  	p0 =	sne.s32 s20, s7;
	_ =	swait.ge [sflag:s19], $0x2000  }
.Ltmp9:
0x2a3: {  	[sflag:s19] =	ssyncset.done $0x0;
	(pc) =	sbr.rel @p0 .LBB2_1-.Ltmp9, $4  }
0x2a4: {  	[sflag:s19] =	ssyncadd.s32 $0xFFFFE000  }
0x2a5: {  	_ =	swait.ge [sflag:s19], $0x2000  }
0x2a6: {  	[sflag:s19] =	ssyncset.done $0x0  }
0x2a7: {  	[sflag:s19] =	ssyncadd.s32 $0xFFFFE000  }
0x2a8: {  	_ =	sfence.sel $0x180000  }
0x2a9: {  	[bflag:$0x0] =	sbarrier.arrive $0xFFFF  }
0x2aa: {  	_ =	strace $0x90000047  }
0x2ab: {  	[bflag:$0x2] =	sbarrier.arrive $0xFFFF  }
0x2ac: {  	p0 =	sne.s32 s0, $0x0;
	s0 =	rddreg [dreg:$0x2]  }
0x2ad: {  	s0 =	sadd.s32 @!p0 $0x100000, s0  }
0x2ae: {  	[sflag:s0] =	ssyncadd.tile.s32 @!p0 $0x1;
	_ =	shalt  }
.Lfunc_end2:
_tile_overlayer_lowered:
.L_overlay_start_2:
0x2af: {  	(tag) =	ssettag $0x2  }
0x2b0: {  	s0 =	rddreg [dreg:$0x0];
	s2 =	stileid.u32  }
0x2b1: {  	s1 =	rddreg [dreg:$0x1];
	p0 =	sne.s32 s2, $0x0  }
0x2b2: {  	s3 =	rddreg [dreg:$0x2];
	[bflag:$0x3] =	sbarrier.arrive $0xFFFF;
	s2 =	simm.s32 @!p0 $0x1C03  }
0x2b3: {  	[timem:s3], [sflag:s2] =	dma.local @!p0 [hbm:s0], s1  }
0x2b4: {  	s0 =	simm.s32 @!p0 $0x3  }
0x2b5: {  	_ =	swait.ge @!p0 [sflag:s0], s1  }
0x2b6: {  	s1 =	ssub.s32 @!p0 $0x0, s1;
	[sflag:s0] =	ssyncset.done @!p0 $0x0  }
0x2b7: {  	[sflag:s0] =	ssyncadd.s32 @!p0 s1  }
0x2b8: {  	[bflag:$0x3] =	sbarrier.arrive $0xFFFF  }
0x2b9: {  	_ =	shalt  }

</sc_bundles>
